<compile_context>
chip_gen: v7x
topology: tpu7x:2x2x1
jax: 0.10.2.dev20260603
libtpu: 0.0.44.dev20260713+nightly
codegen_flags: <defaults>
</compile_context>

<pallas_src>
import functools

import jax
import jax.numpy as jnp
from jax import lax
from jax.experimental import pallas as pl
from jax.experimental.pallas import tpu as pltpu
from jax.experimental.pallas import tpu_sc as plsc

IN_CH = 128
HID = 64
HEADS = 8
OUT_CH = 256
N_MOLS = 1024
ATOMS = 64
MOL_E = 256
KG_E = 16384

NC, NS, L = 2, 16, 16
NW = NC * NS
ROWS_W = N_MOLS // NW
MPW = N_MOLS // NW
MB_SC = 16
MB = 8


def _sc_mol_counts(mol_e, zmol):
    mesh = plsc.VectorSubcoreMesh(core_axis_name="c", subcore_axis_name="s")
    AA = ATOMS * ATOMS

    @functools.partial(
        pl.kernel,
        out_type=jax.ShapeDtypeStruct((N_MOLS * AA,), jnp.float32),
        mesh=mesh,
        compiler_params=pltpu.CompilerParams(needs_layout_passes=False),
        scratch_types=[
            pltpu.VMEM((MB_SC * 2 * MOL_E,), jnp.int32),
            pltpu.VMEM((MB_SC * AA,), jnp.float32),
            pltpu.SemaphoreType.DMA,
            pltpu.SemaphoreType.DMA,
        ],
    )
    def k(mol_hbm, zmol_hbm, cmol_out, me_v, cm_v, sem1, sem2):
        wid = lax.axis_index("s") * NC + lax.axis_index("c")
        ones = jnp.full((L,), 1.0, jnp.float32)
        ii = lax.iota(jnp.int32, L)
        U = 4

        def mol_chunk(ci, carry):
            m0 = wid * MPW + ci * MB_SC
            cp1 = pltpu.async_copy(
                mol_hbm.at[pl.ds(m0 * 2 * MOL_E, MB_SC * 2 * MOL_E)], me_v,
                sem1)
            cp2 = pltpu.async_copy(zmol_hbm, cm_v, sem2)
            cp1.wait()
            cp2.wait()

            def jbody(j, c2):
                jbase = j * AA

                def ebody(e, c3):
                    for q in range(U):
                        o = e * (U * L) + q * L
                        src = me_v[pl.ds(2 * j * MOL_E + o, L)]
                        dst = me_v[pl.ds((2 * j + 1) * MOL_E + o, L)]
                        plsc.addupdate_scatter(
                            cm_v, [jbase + dst * ATOMS + src], ones)
                    return c3

                lax.fori_loop(0, MOL_E // (U * L), ebody, 0)
                for c in range(ATOMS // L):
                    didx = jbase + (c * L + ii) * (ATOMS + 1)
                    plsc.addupdate_scatter(cm_v, [didx], ones)
                return c2

            lax.fori_loop(0, MB_SC, jbody, 0)
            pltpu.sync_copy(cm_v, cmol_out.at[pl.ds(m0 * AA, MB_SC * AA)])
            return carry

        lax.fori_loop(0, MPW // MB_SC, mol_chunk, 0)

    return k(mol_e, zmol)


def _sc_kg_counts(kg_e, zkg):
    mesh = plsc.VectorSubcoreMesh(core_axis_name="c", subcore_axis_name="s")
    RSC = N_MOLS // NS
    EHALF = KG_E // NC
    U = 4

    @functools.partial(
        pl.kernel,
        out_type=jax.ShapeDtypeStruct((NC * N_MOLS * N_MOLS,), jnp.float32),
        mesh=mesh,
        compiler_params=pltpu.CompilerParams(needs_layout_passes=False),
        scratch_types=[
            pltpu.VMEM((2 * EHALF,), jnp.int32),
            pltpu.VMEM((RSC * N_MOLS,), jnp.float32),
            pltpu.SemaphoreType.DMA,
            pltpu.SemaphoreType.DMA,
        ],
    )
    def k(kg_hbm, zkg_hbm, ckg_out, kg_v, ckg_v, sem1, sem2):
        sid = lax.axis_index("s")
        cid = lax.axis_index("c")
        ones = jnp.full((L,), 1.0, jnp.float32)
        ii = lax.iota(jnp.int32, L)
        base = sid * RSC
        cp1 = pltpu.async_copy(kg_hbm.at[pl.ds(cid * EHALF, EHALF)],
                               kg_v.at[pl.ds(0, EHALF)], sem1)
        cp2 = pltpu.async_copy(kg_hbm.at[pl.ds(KG_E + cid * EHALF, EHALF)],
                               kg_v.at[pl.ds(EHALF, EHALF)], sem1)
        cp3 = pltpu.async_copy(zkg_hbm, ckg_v, sem2)
        cp1.wait()
        cp2.wait()
        cp3.wait()

        def kg_body(i, carry):
            for q in range(U):
                o = i * (U * L) + q * L
                src = kg_v[pl.ds(o, L)]
                dst = kg_v[pl.ds(EHALF + o, L)]
                row = dst - base
                m = (row >= 0) & (row < RSC)
                idx = jnp.where(m, row * N_MOLS + src, 0)
                plsc.addupdate_scatter(ckg_v, [idx], ones, mask=m)
            return carry

        lax.fori_loop(0, EHALF // (U * L), kg_body, 0)

        @pl.when(cid == 0)
        def _():
            for c in range(RSC // L):
                didx = (c * L + ii) * (N_MOLS + 1) + base
                plsc.addupdate_scatter(ckg_v, [didx], ones)

        pltpu.sync_copy(ckg_v, ckg_out.at[pl.ds(cid * N_MOLS * N_MOLS
                                                + base * N_MOLS, RSC * N_MOLS)])

    return k(kg_e, zkg)


def _mol_body(xr, cmr, w1er, b1r, w2er, b2r, tileib_r, tileit_r, seg8_r,
              seg8t_r, repr_r, onesbd_r, outr):
    HW = HEADS * HID
    R = MB * ATOMS
    BF = jnp.bfloat16
    x = xr[...].astype(BF)
    h1e = jnp.dot(x, w1er[...],
                  preferred_element_type=jnp.float32)
    h1 = h1e[:, :HW].astype(BF)
    als = h1e[:, HW:HW + HEADS].astype(BF)
    ald = h1e[:, HW + HEADS:HW + 2 * HEADS].astype(BF)

    tileib = tileib_r[...]
    tileit = tileit_r[...]
    seg8 = seg8_r[...]
    repm = repr_r[...]
    onesbd = onesbd_r[...]

    aldw_all = jnp.dot(ald, repm, preferred_element_type=jnp.float32)
    alsw = jnp.dot(als, repm, preferred_element_type=jnp.float32).astype(BF)
    alsrow_all = jnp.dot(seg8, alsw * tileit,
                         preferred_element_type=jnp.float32)
    alsrow_b = jnp.dot(seg8t_r[...], alsrow_all.astype(BF),
                       preferred_element_type=jnp.float32)

    cmb = cmr[...].astype(BF)
    Cw_all = jnp.concatenate(
        [jnp.dot(cmb[m * ATOMS:(m + 1) * ATOMS, :], tileib,
                 preferred_element_type=jnp.float32) for m in range(MB)],
        axis=0)
    alpha_all = aldw_all + alsrow_b
    alpha_all = jnp.where(alpha_all >= 0, alpha_all, 0.2 * alpha_all)
    E_all = (Cw_all * jnp.exp(alpha_all)).astype(BF)

    den8_all = jnp.dot(E_all, onesbd,
                       preferred_element_type=jnp.float32)
    rcpw = jnp.dot((1.0 / (den8_all + 1e-16)).astype(BF), repm,
                   preferred_element_type=jnp.float32)

    u_parts = []
    for m in range(MB):
        r0 = m * ATOMS
        E = E_all[r0:r0 + ATOMS, :]
        aggs = [jnp.dot(E[:, h * HID:(h + 1) * HID],
                        h1[r0:r0 + ATOMS, h * HID:(h + 1) * HID],
                        preferred_element_type=jnp.float32)
                for h in range(HEADS)]
        u_parts.append(jnp.concatenate(aggs, axis=1))

    u = jnp.concatenate(u_parts, axis=0) * rcpw + b1r[...]
    u = jnp.where(u > 0, u, jnp.exp(jnp.minimum(u, 0.0)) - 1.0)
    h2e = jnp.dot(u.astype(BF), w2er[...],
                  preferred_element_type=jnp.float32)
    h2 = h2e[:, :OUT_CH].astype(BF)
    als2c = h2e[:, OUT_CH:OUT_CH + 1]
    ald2c = h2e[:, OUT_CH + 1:OUT_CH + 2]
    als2rows = jnp.dot(seg8, (als2c * tileit[:, :ATOMS].astype(jnp.float32)
                              ).astype(BF),
                       preferred_element_type=jnp.float32)
    als2b = jnp.dot(seg8t_r[...], als2rows.astype(BF),
                    preferred_element_type=jnp.float32)
    alpha2 = ald2c + als2b
    alpha2 = jnp.where(alpha2 >= 0, alpha2, 0.2 * alpha2)
    E2_all = cmr[...] * jnp.exp(alpha2)
    den2 = jnp.sum(E2_all, axis=1, keepdims=True) + 1e-16
    E2b = E2_all.astype(BF)

    for m in range(MB):
        r0 = m * ATOMS
        agg = jnp.dot(E2b[r0:r0 + ATOMS, :], h2[r0:r0 + ATOMS, :],
                      preferred_element_type=jnp.float32)
        v = agg / den2[r0:r0 + ATOMS, :] + b2r[...]
        outr[m:m + 1, :] = jnp.min(v, axis=0, keepdims=True)


def _mol_tc(x2, cm2, w1e, b1, w2e, b2, tileib, tileit, seg8, seg8t, repm,
            onesbd):
    grid = (N_MOLS // MB,)
    R = MB * ATOMS
    HW = HEADS * HID
    full = lambda shp: pl.BlockSpec(shp, lambda i: (0, 0))
    return pl.pallas_call(
        _mol_body,
        grid=grid,
        in_specs=[
            pl.BlockSpec((R, IN_CH), lambda i: (i, 0)),
            pl.BlockSpec((R, ATOMS), lambda i: (i, 0)),
            full((IN_CH, HW + 2 * HEADS)),
            full((1, HW)),
            full((HW, OUT_CH + 2)),
            full((1, OUT_CH)),
            full((ATOMS, HW)),
            full((R, HW)),
            full((MB, R)),
            full((R, MB)),
            full((HEADS, HW)),
            full((HW, HEADS)),
        ],
        out_specs=pl.BlockSpec((MB, OUT_CH), lambda i: (i, 0)),
        out_shape=jax.ShapeDtypeStruct((N_MOLS, OUT_CH), jnp.float32),
    )(x2, cm2, w1e, b1, w2e, b2, tileib, tileit, seg8, seg8t, repm, onesbd)


def _kg_body(molr, ckgr, wg1r, bg1r, wg2r, bg2r, outr):
    Cpi = ckgr[:N_MOLS, :] + ckgr[N_MOLS:, :]
    deg = jnp.sum(Cpi, axis=1, keepdims=True)
    dinv = lax.rsqrt(deg)
    H1 = jnp.dot(molr[...], wg1r[...], preferred_element_type=jnp.float32)
    T = jnp.dot(Cpi, dinv * H1, preferred_element_type=jnp.float32)
    Z = jnp.maximum(dinv * T + bg1r[...], 0.0)
    H2 = jnp.dot(Z, wg2r[...], preferred_element_type=jnp.float32)
    outr[...] = dinv * jnp.dot(Cpi, dinv * H2,
                               preferred_element_type=jnp.float32) + bg2r[...]


def _kg_tc(mol_out, c_kg, Wg1, bg1, Wg2, bg2):
    full = lambda shp: pl.BlockSpec(shp, lambda: (0, 0))
    return pl.pallas_call(
        _kg_body,
        in_specs=[
            full((N_MOLS, OUT_CH)),
            full((2 * N_MOLS, N_MOLS)),
            full((OUT_CH, 2 * OUT_CH)),
            full((1, 2 * OUT_CH)),
            full((2 * OUT_CH, OUT_CH)),
            full((1, OUT_CH)),
        ],
        out_specs=full((N_MOLS, OUT_CH)),
        out_shape=jax.ShapeDtypeStruct((N_MOLS, OUT_CH), jnp.float32),
    )(mol_out, c_kg, Wg1, bg1, Wg2, bg2)


def kernel(mol_x, mol_edge_index, edge_index, W1, a_src1, a_dst1, b1,
           W2, a_src2, a_dst2, b2, Wg1, bg1, Wg2, bg2):
    kg_e = edge_index.astype(jnp.int32).reshape(2 * KG_E)
    mol_e = mol_edge_index.astype(jnp.int32).reshape(N_MOLS * 2 * MOL_E)
    zkg = jnp.zeros(((N_MOLS // NS) * N_MOLS,), jnp.float32)
    zmol = jnp.zeros((MB_SC * ATOMS * ATOMS,), jnp.float32)
    c_mol_f = _sc_mol_counts(mol_e, zmol)
    c_kg = _sc_kg_counts(kg_e, zkg).reshape(2 * N_MOLS, N_MOLS)

    HW = HEADS * HID
    head_of = jnp.arange(HW) // HID
    sel = head_of[:, None] == jnp.arange(HEADS)[None, :]
    bs1 = jnp.where(sel, a_src1.reshape(-1)[:, None], 0.0).astype(jnp.float32)
    bd1 = jnp.where(sel, a_dst1.reshape(-1)[:, None], 0.0).astype(jnp.float32)
    w1e = jnp.concatenate([W1, W1 @ bs1, W1 @ bd1],
                          axis=1).astype(jnp.bfloat16)
    w2e = jnp.concatenate([W2, W2 @ a_src2.T, W2 @ a_dst2.T],
                          axis=1).astype(jnp.bfloat16)

    x2 = mol_x.reshape(N_MOLS * ATOMS, IN_CH)
    cm2 = c_mol_f.reshape(N_MOLS * ATOMS, ATOMS)

    R = MB * ATOMS
    lane = jnp.arange(HW)
    tileib = (jnp.arange(ATOMS)[:, None] == (lane % HID)[None, :]
              ).astype(jnp.bfloat16)
    tileit = (jnp.arange(R)[:, None] % ATOMS == (lane % HID)[None, :]
              ).astype(jnp.bfloat16)
    seg8 = (jnp.arange(MB)[:, None] == (jnp.arange(R) // ATOMS)[None, :]
            ).astype(jnp.bfloat16)
    repm = (jnp.arange(HEADS)[:, None] == (lane // HID)[None, :]
            ).astype(jnp.bfloat16)
    onesbd = repm.T
    seg8t = seg8.T

    mol_out = _mol_tc(x2, cm2, w1e, b1.reshape(1, -1), w2e,
                      b2.reshape(1, -1), tileib, tileit, seg8, seg8t, repm,
                      onesbd)
    return _kg_tc(mol_out, c_kg, Wg1, bg1.reshape(1, -1), Wg2,
                  bg2.reshape(1, -1))

# --- scband reference (transcript-rebuilt; emitter-appended) ---
"""Pipeline reference for scband-gatkgcn-48962627175095 (READ-ONLY COPY).

The authoritative reference and input builder live on the scoring server;
editing this copy changes nothing except your own understanding.
"""

import jax, jax.numpy as jnp
import numpy as np

IN_CH = 128
HID = 64
HEADS = 8
OUT_CH = 256
N_MOLS = 1024
ATOMS = 64
MOL_E = 256
KG_E = 16384


def setup_inputs(seed: int = 0) -> dict:
    key = jax.random.key(seed)
    ks = jax.random.split(key, 16)
    s = 0.05
    inp = {}
    inp['mol_x'] = jax.random.normal(ks[0], (N_MOLS, ATOMS, IN_CH), dtype=jnp.float32)
    inp['mol_edge_index'] = jax.random.randint(ks[1], (N_MOLS, 2, MOL_E), 0, ATOMS)
    inp['edge_index'] = jax.random.randint(ks[2], (2, KG_E), 0, N_MOLS)
    # GATConv 1: in_ch -> heads*hid, concat=True
    inp['W1'] = jax.random.normal(ks[3], (IN_CH, HEADS * HID), dtype=jnp.float32) * s
    inp['a_src1'] = jax.random.normal(ks[4], (HEADS, HID), dtype=jnp.float32) * s
    inp['a_dst1'] = jax.random.normal(ks[5], (HEADS, HID), dtype=jnp.float32) * s
    inp['b1'] = jnp.zeros((HEADS * HID,), dtype=jnp.float32)
    # GATConv 2: heads*hid -> out_ch, heads=1, concat=False
    inp['W2'] = jax.random.normal(ks[6], (HEADS * HID, OUT_CH), dtype=jnp.float32) * s
    inp['a_src2'] = jax.random.normal(ks[7], (1, OUT_CH), dtype=jnp.float32) * s
    inp['a_dst2'] = jax.random.normal(ks[8], (1, OUT_CH), dtype=jnp.float32) * s
    inp['b2'] = jnp.zeros((OUT_CH,), dtype=jnp.float32)
    # GCNConv 1: out_ch -> 2*out_ch
    inp['Wg1'] = jax.random.normal(ks[9], (OUT_CH, 2 * OUT_CH), dtype=jnp.float32) * s
    inp['bg1'] = jnp.zeros((2 * OUT_CH,), dtype=jnp.float32)
    # GCNConv 2: 2*out_ch -> out_ch
    inp['Wg2'] = jax.random.normal(ks[10], (2 * OUT_CH, OUT_CH), dtype=jnp.float32) * s
    inp['bg2'] = jnp.zeros((OUT_CH,), dtype=jnp.float32)
    return inp


def gat_conv(x, src, dst, W, a_s, a_d, b, heads, out, concat):
    N = x.shape[0]
    h = (x @ W).reshape(N, heads, out)
    al_s = (h * a_s[None, :, :]).sum(-1)  # [N, heads]
    al_d = (h * a_d[None, :, :]).sum(-1)  # [N, heads]
    alpha = al_s[src] + al_d[dst]         # [E, heads]
    alpha = jnp.where(alpha >= 0, alpha, 0.2 * alpha)  # leaky_relu(0.2)
    amax = jax.ops.segment_max(alpha, dst, num_segments=N)
    e = jnp.exp(alpha - amax[dst])
    denom = jax.ops.segment_sum(e, dst, num_segments=N)
    att = e / (denom[dst] + 1e-16)
    msg = h[src] * att[..., None]
    agg = jax.ops.segment_sum(msg, dst, num_segments=N)
    if concat:
        o = agg.reshape(N, heads * out)
    else:
        o = agg.mean(axis=1)
    return o + b


def mol_forward(mx, mei, W1, a_src1, a_dst1, b1, W2, a_src2, a_dst2, b2):
    N = mx.shape[0]
    sl = jnp.arange(N)
    src = jnp.concatenate([mei[0], sl])  # add self loops (PyG default)
    dst = jnp.concatenate([mei[1], sl])
    h = gat_conv(mx, src, dst, W1, a_src1, a_dst1, b1, HEADS, HID, True)
    h = jax.nn.elu(h)
    h = gat_conv(h, src, dst, W2, a_src2, a_dst2, b2, 1, OUT_CH, False)
    return jnp.min(h, axis=0)  # torch.min(x, dim=0).values


def gcn_conv(x, src, dst, W, b):
    N = x.shape[0]
    h = x @ W
    deg = jax.ops.segment_sum(jnp.ones_like(dst, dtype=x.dtype), dst, num_segments=N)
    dinv = jnp.where(deg > 0, deg ** -0.5, 0.0)
    norm = dinv[src] * dinv[dst]
    return jax.ops.segment_sum(h[src] * norm[:, None], dst, num_segments=N) + b


def reference(mol_x, mol_edge_index, edge_index, W1, a_src1, a_dst1, b1, W2, a_src2, a_dst2, b2, Wg1, bg1, Wg2, bg2):
    mol_out = jax.vmap(lambda mx, mei: mol_forward(mx, mei, W1, a_src1, a_dst1, b1, W2, a_src2, a_dst2, b2))(mol_x, mol_edge_index)
    N = mol_out.shape[0]
    sl = jnp.arange(N)
    src = jnp.concatenate([edge_index[0], sl])
    dst = jnp.concatenate([edge_index[1], sl])
    h = jax.nn.relu(gcn_conv(mol_out, src, dst, Wg1, bg1))
    return gcn_conv(h, src, dst, Wg2, bg2)

if __name__ == "__main__":
    import jax
    _d = setup_inputs()
    print(jax.jit(kernel)(*tuple(_d.values())))

</pallas_src>

<mosaic_0001>
#map = affine_map<(d0, d1) -> (0)>
module attributes {stable_mosaic.version = 14 : i64} {
  func.func @k(%arg0: i32, %arg1: i32, %arg2: memref<32768xi32, #tpu.memory_space<hbm>>, %arg3: memref<65536xf32, #tpu.memory_space<hbm>>, %arg4: memref<2097152xf32, #tpu.memory_space<hbm>>, %arg5: memref<16384xi32, #tpu.memory_space<vmem>>, %arg6: memref<65536xf32, #tpu.memory_space<vmem>>, %arg7: memref<!tpu.dma_semaphore, #tpu.memory_space<semaphore_mem>>, %arg8: memref<!tpu.dma_semaphore, #tpu.memory_space<semaphore_mem>>) attributes {dimension_semantics = [#tpu.dimension_semantics<core_parallel>, #tpu.dimension_semantics<subcore_parallel>], iteration_bounds = array<i64: 2, 16>, scalar_prefetch = 0 : i64, scratch_operands = 4 : i64, tpu.core_type = #tpu.core_type<sc_vector_subcore>, window_params = [{transform_indices = #map}, {transform_indices = #map}, {transform_indices = #map}]} {
    %broadcast_in_dim3A = arith.constant 1.000000e+00 : f32
    %broadcast_in_dim3A_0 = vector.broadcast %broadcast_in_dim3A : f32 to vector<16xf32>
    %iota3A = tpu.iota {dimensions = array<i32: 0>} : vector<16xi32>
    %mul3A = arith.constant 64 : i32
    %mul3A_1 = arith.muli %arg1, %mul3A : i32
    %mul3A_2 = arith.constant 8192 : i32
    %mul3A_3 = arith.muli %arg0, %mul3A_2 : i32
    %dma_start3A = arith.constant 0 : i32
    %dma_start3A_4 = tpu.memref_slice %arg5[%dma_start3A] : memref<16384xi32, #tpu.memory_space<vmem>> -> memref<8192xi32, #tpu.memory_space<vmem>>
    %dma_start3A_5 = tpu.memref_slice %arg2[%mul3A_3] : memref<32768xi32, #tpu.memory_space<hbm>> -> memref<8192xi32, #tpu.memory_space<hbm>>
    %dma_start3A_6 = arith.constant 0 : i32
    %dma_start3A_7 = tpu.memref_slice %arg5[%dma_start3A_6] : memref<16384xi32, #tpu.memory_space<vmem>> -> memref<8192xi32, #tpu.memory_space<vmem>>
    %dma_start3A_8 = tpu.memref_slice %arg2[%mul3A_3] : memref<32768xi32, #tpu.memory_space<hbm>> -> memref<8192xi32, #tpu.memory_space<hbm>>
    tpu.enqueue_dma source(%dma_start3A_8 : memref<8192xi32, #tpu.memory_space<hbm>>) target(%dma_start3A_7 : memref<8192xi32, #tpu.memory_space<vmem>>) target_semaphore(%arg7 : memref<!tpu.dma_semaphore, #tpu.memory_space<semaphore_mem>>)
    %mul3A_9 = arith.constant 8192 : i32
    %mul3A_10 = arith.muli %arg0, %mul3A_9 : i32
    %add3A = arith.constant 16384 : i32
    %add3A_11 = arith.addi %add3A, %mul3A_10 : i32
    %dma_start3A_12 = arith.constant 8192 : i32
    %dma_start3A_13 = tpu.memref_slice %arg5[%dma_start3A_12] : memref<16384xi32, #tpu.memory_space<vmem>> -> memref<8192xi32, #tpu.memory_space<vmem>>
    %dma_start3A_14 = tpu.memref_slice %arg2[%add3A_11] : memref<32768xi32, #tpu.memory_space<hbm>> -> memref<8192xi32, #tpu.memory_space<hbm>>
    %dma_start3A_15 = arith.constant 8192 : i32
    %dma_start3A_16 = tpu.memref_slice %arg5[%dma_start3A_15] : memref<16384xi32, #tpu.memory_space<vmem>> -> memref<8192xi32, #tpu.memory_space<vmem>>
    %dma_start3A_17 = tpu.memref_slice %arg2[%add3A_11] : memref<32768xi32, #tpu.memory_space<hbm>> -> memref<8192xi32, #tpu.memory_space<hbm>>
    tpu.enqueue_dma source(%dma_start3A_17 : memref<8192xi32, #tpu.memory_space<hbm>>) target(%dma_start3A_16 : memref<8192xi32, #tpu.memory_space<vmem>>) target_semaphore(%arg7 : memref<!tpu.dma_semaphore, #tpu.memory_space<semaphore_mem>>)
    tpu.enqueue_dma source(%arg3 : memref<65536xf32, #tpu.memory_space<hbm>>) target(%arg6 : memref<65536xf32, #tpu.memory_space<vmem>>) target_semaphore(%arg8 : memref<!tpu.dma_semaphore, #tpu.memory_space<semaphore_mem>>)
    %dma_wait3A = arith.constant 0 : i32
    %dma_wait3A_18 = tpu.memref_slice %arg5[%dma_wait3A] : memref<16384xi32, #tpu.memory_space<vmem>> -> memref<8192xi32, #tpu.memory_space<vmem>>
    %dma_wait3A_19 = tpu.memref_slice %arg2[%mul3A_3] : memref<32768xi32, #tpu.memory_space<hbm>> -> memref<8192xi32, #tpu.memory_space<hbm>>
    %dma_wait3A_20 = arith.constant 0 : i32
    %dma_wait3A_21 = tpu.memref_slice %arg5[%dma_wait3A_20] : memref<16384xi32, #tpu.memory_space<vmem>> -> memref<8192xi32, #tpu.memory_space<vmem>>
    %dma_wait3A_22 = tpu.memref_slice %arg2[%mul3A_3] : memref<32768xi32, #tpu.memory_space<hbm>> -> memref<8192xi32, #tpu.memory_space<hbm>>
    tpu.wait_dma2 semaphore(%arg7 : memref<!tpu.dma_semaphore, #tpu.memory_space<semaphore_mem>>) src(%dma_wait3A_22 : memref<8192xi32, #tpu.memory_space<hbm>>) dst(%dma_wait3A_21 : memref<8192xi32, #tpu.memory_space<vmem>>)
    %dma_wait3A_23 = arith.constant 8192 : i32
    %dma_wait3A_24 = tpu.memref_slice %arg5[%dma_wait3A_23] : memref<16384xi32, #tpu.memory_space<vmem>> -> memref<8192xi32, #tpu.memory_space<vmem>>
    %dma_wait3A_25 = tpu.memref_slice %arg2[%add3A_11] : memref<32768xi32, #tpu.memory_space<hbm>> -> memref<8192xi32, #tpu.memory_space<hbm>>
    %dma_wait3A_26 = arith.constant 8192 : i32
    %dma_wait3A_27 = tpu.memref_slice %arg5[%dma_wait3A_26] : memref<16384xi32, #tpu.memory_space<vmem>> -> memref<8192xi32, #tpu.memory_space<vmem>>
    %dma_wait3A_28 = tpu.memref_slice %arg2[%add3A_11] : memref<32768xi32, #tpu.memory_space<hbm>> -> memref<8192xi32, #tpu.memory_space<hbm>>
    tpu.wait_dma2 semaphore(%arg7 : memref<!tpu.dma_semaphore, #tpu.memory_space<semaphore_mem>>) src(%dma_wait3A_28 : memref<8192xi32, #tpu.memory_space<hbm>>) dst(%dma_wait3A_27 : memref<8192xi32, #tpu.memory_space<vmem>>)
    tpu.wait_dma2 semaphore(%arg8 : memref<!tpu.dma_semaphore, #tpu.memory_space<semaphore_mem>>) src(%arg3 : memref<65536xf32, #tpu.memory_space<hbm>>) dst(%arg6 : memref<65536xf32, #tpu.memory_space<vmem>>)
    %scan3A = arith.constant 0 : i32
    %scan3A_29 = arith.constant 0 : i32
    %scan3A_30 = arith.constant 128 : i32
    %scan3A_31 = arith.addi %scan3A_29, %scan3A_30 : i32
    %scan3A_32 = arith.constant 1 : i32
    scf.for %scan3A_43 = %scan3A_29 to %scan3A_31 step %scan3A_32  : i32 {
      %mul3A_44 = arith.constant 64 : i32
      %mul3A_45 = arith.muli %scan3A_43, %mul3A_44 : i32
      %add3A_46 = arith.constant 0 : i32
      %add3A_47 = arith.addi %mul3A_45, %add3A_46 : i32
      %get3A = arith.index_cast %add3A_47 : i32 to index
      %get3A_48 = tpu.vector_load %arg5[%get3A] {strides = array<i32>} : memref<16384xi32, #tpu.memory_space<vmem>>, vector<16xi32>,
      %add3A_49 = arith.constant 8192 : i32
      %add3A_50 = arith.addi %add3A_49, %add3A_47 : i32
      %get3A_51 = arith.index_cast %add3A_50 : i32 to index
      %get3A_52 = tpu.vector_load %arg5[%get3A_51] {strides = array<i32>} : memref<16384xi32, #tpu.memory_space<vmem>>, vector<16xi32>,
      %sub3A = vector.broadcast %mul3A_1 : i32 to vector<16xi32>
      %sub3A_53 = arith.subi %get3A_52, %sub3A : vector<16xi32>
      %ge3A = arith.constant 0 : i32
      %ge3A_54 = vector.broadcast %ge3A : i32 to vector<16xi32>
      %ge3A_55 = arith.cmpi sge, %sub3A_53, %ge3A_54 : vector<16xi32>
      %lt3A = arith.constant 64 : i32
      %lt3A_56 = vector.broadcast %lt3A : i32 to vector<16xi32>
      %lt3A_57 = arith.cmpi slt, %sub3A_53, %lt3A_56 : vector<16xi32>
      %and3A = arith.andi %ge3A_55, %lt3A_57 : vector<16xi1>
      %mul3A_58 = arith.constant 1024 : i32
      %mul3A_59 = vector.broadcast %mul3A_58 : i32 to vector<16xi32>
      %mul3A_60 = arith.muli %sub3A_53, %mul3A_59 : vector<16xi32>
      %add3A_61 = arith.addi %mul3A_60, %get3A_48 : vector<16xi32>
      %jit3A = arith.constant 0 : i32
      %broadcast_in_dim3A_62 = vector.broadcast %jit3A : i32 to vector<16xi32>
      %select_n3A = arith.select %and3A, %add3A_61, %broadcast_in_dim3A_62 : vector<16xi1>, vector<16xi32>
      tpu.vector_store_idx %arg6[%select_n3A], %broadcast_in_dim3A_0 masked %and3A {add = true} : memref<65536xf32, #tpu.memory_space<vmem>>[vector<16xi32>], vector<16xf32>, vector<16xi1>
      %mul3A_63 = arith.constant 64 : i32
      %mul3A_64 = arith.muli %scan3A_43, %mul3A_63 : i32
      %add3A_65 = arith.constant 16 : i32
      %add3A_66 = arith.addi %mul3A_64, %add3A_65 : i32
      %get3A_67 = arith.index_cast %add3A_66 : i32 to index
      %get3A_68 = tpu.vector_load %arg5[%get3A_67] {strides = array<i32>} : memref<16384xi32, #tpu.memory_space<vmem>>, vector<16xi32>,
      %add3A_69 = arith.constant 8192 : i32
      %add3A_70 = arith.addi %add3A_69, %add3A_66 : i32
      %get3A_71 = arith.index_cast %add3A_70 : i32 to index
      %get3A_72 = tpu.vector_load %arg5[%get3A_71] {strides = array<i32>} : memref<16384xi32, #tpu.memory_space<vmem>>, vector<16xi32>,
      %sub3A_73 = vector.broadcast %mul3A_1 : i32 to vector<16xi32>
      %sub3A_74 = arith.subi %get3A_72, %sub3A_73 : vector<16xi32>
      %ge3A_75 = arith.constant 0 : i32
      %ge3A_76 = vector.broadcast %ge3A_75 : i32 to vector<16xi32>
      %ge3A_77 = arith.cmpi sge, %sub3A_74, %ge3A_76 : vector<16xi32>
      %lt3A_78 = arith.constant 64 : i32
      %lt3A_79 = vector.broadcast %lt3A_78 : i32 to vector<16xi32>
      %lt3A_80 = arith.cmpi slt, %sub3A_74, %lt3A_79 : vector<16xi32>
      %and3A_81 = arith.andi %ge3A_77, %lt3A_80 : vector<16xi1>
      %mul3A_82 = arith.constant 1024 : i32
      %mul3A_83 = vector.broadcast %mul3A_82 : i32 to vector<16xi32>
      %mul3A_84 = arith.muli %sub3A_74, %mul3A_83 : vector<16xi32>
      %add3A_85 = arith.addi %mul3A_84, %get3A_68 : vector<16xi32>
      %jit3A_86 = arith.constant 0 : i32
      %broadcast_in_dim3A_87 = vector.broadcast %jit3A_86 : i32 to vector<16xi32>
      %select_n3A_88 = arith.select %and3A_81, %add3A_85, %broadcast_in_dim3A_87 : vector<16xi1>, vector<16xi32>
      tpu.vector_store_idx %arg6[%select_n3A_88], %broadcast_in_dim3A_0 masked %and3A_81 {add = true} : memref<65536xf32, #tpu.memory_space<vmem>>[vector<16xi32>], vector<16xf32>, vector<16xi1>
      %mul3A_89 = arith.constant 64 : i32
      %mul3A_90 = arith.muli %scan3A_43, %mul3A_89 : i32
      %add3A_91 = arith.constant 32 : i32
      %add3A_92 = arith.addi %mul3A_90, %add3A_91 : i32
      %get3A_93 = arith.index_cast %add3A_92 : i32 to index
      %get3A_94 = tpu.vector_load %arg5[%get3A_93] {strides = array<i32>} : memref<16384xi32, #tpu.memory_space<vmem>>, vector<16xi32>,
      %add3A_95 = arith.constant 8192 : i32
      %add3A_96 = arith.addi %add3A_95, %add3A_92 : i32
      %get3A_97 = arith.index_cast %add3A_96 : i32 to index
      %get3A_98 = tpu.vector_load %arg5[%get3A_97] {strides = array<i32>} : memref<16384xi32, #tpu.memory_space<vmem>>, vector<16xi32>,
      %sub3A_99 = vector.broadcast %mul3A_1 : i32 to vector<16xi32>
      %sub3A_100 = arith.subi %get3A_98, %sub3A_99 : vector<16xi32>
      %ge3A_101 = arith.constant 0 : i32
      %ge3A_102 = vector.broadcast %ge3A_101 : i32 to vector<16xi32>
      %ge3A_103 = arith.cmpi sge, %sub3A_100, %ge3A_102 : vector<16xi32>
      %lt3A_104 = arith.constant 64 : i32
      %lt3A_105 = vector.broadcast %lt3A_104 : i32 to vector<16xi32>
      %lt3A_106 = arith.cmpi slt, %sub3A_100, %lt3A_105 : vector<16xi32>
      %and3A_107 = arith.andi %ge3A_103, %lt3A_106 : vector<16xi1>
      %mul3A_108 = arith.constant 1024 : i32
      %mul3A_109 = vector.broadcast %mul3A_108 : i32 to vector<16xi32>
      %mul3A_110 = arith.muli %sub3A_100, %mul3A_109 : vector<16xi32>
      %add3A_111 = arith.addi %mul3A_110, %get3A_94 : vector<16xi32>
      %jit3A_112 = arith.constant 0 : i32
      %broadcast_in_dim3A_113 = vector.broadcast %jit3A_112 : i32 to vector<16xi32>
      %select_n3A_114 = arith.select %and3A_107, %add3A_111, %broadcast_in_dim3A_113 : vector<16xi1>, vector<16xi32>
      tpu.vector_store_idx %arg6[%select_n3A_114], %broadcast_in_dim3A_0 masked %and3A_107 {add = true} : memref<65536xf32, #tpu.memory_space<vmem>>[vector<16xi32>], vector<16xf32>, vector<16xi1>
      %mul3A_115 = arith.constant 64 : i32
      %mul3A_116 = arith.muli %scan3A_43, %mul3A_115 : i32
      %add3A_117 = arith.constant 48 : i32
      %add3A_118 = arith.addi %mul3A_116, %add3A_117 : i32
      %get3A_119 = arith.index_cast %add3A_118 : i32 to index
      %get3A_120 = tpu.vector_load %arg5[%get3A_119] {strides = array<i32>} : memref<16384xi32, #tpu.memory_space<vmem>>, vector<16xi32>,
      %add3A_121 = arith.constant 8192 : i32
      %add3A_122 = arith.addi %add3A_121, %add3A_118 : i32
      %get3A_123 = arith.index_cast %add3A_122 : i32 to index
      %get3A_124 = tpu.vector_load %arg5[%get3A_123] {strides = array<i32>} : memref<16384xi32, #tpu.memory_space<vmem>>, vector<16xi32>,
      %sub3A_125 = vector.broadcast %mul3A_1 : i32 to vector<16xi32>
      %sub3A_126 = arith.subi %get3A_124, %sub3A_125 : vector<16xi32>
      %ge3A_127 = arith.constant 0 : i32
      %ge3A_128 = vector.broadcast %ge3A_127 : i32 to vector<16xi32>
      %ge3A_129 = arith.cmpi sge, %sub3A_126, %ge3A_128 : vector<16xi32>
      %lt3A_130 = arith.constant 64 : i32
      %lt3A_131 = vector.broadcast %lt3A_130 : i32 to vector<16xi32>
      %lt3A_132 = arith.cmpi slt, %sub3A_126, %lt3A_131 : vector<16xi32>
      %and3A_133 = arith.andi %ge3A_129, %lt3A_132 : vector<16xi1>
      %mul3A_134 = arith.constant 1024 : i32
      %mul3A_135 = vector.broadcast %mul3A_134 : i32 to vector<16xi32>
      %mul3A_136 = arith.muli %sub3A_126, %mul3A_135 : vector<16xi32>
      %add3A_137 = arith.addi %mul3A_136, %get3A_120 : vector<16xi32>
      %jit3A_138 = arith.constant 0 : i32
      %broadcast_in_dim3A_139 = vector.broadcast %jit3A_138 : i32 to vector<16xi32>
      %select_n3A_140 = arith.select %and3A_133, %add3A_137, %broadcast_in_dim3A_139 : vector<16xi1>, vector<16xi32>
      tpu.vector_store_idx %arg6[%select_n3A_140], %broadcast_in_dim3A_0 masked %and3A_133 {add = true} : memref<65536xf32, #tpu.memory_space<vmem>>[vector<16xi32>], vector<16xf32>, vector<16xi1>
    }
    %scan3A_33 = arith.constant 128 : i32
    %eq3A = arith.constant 0 : i32
    %eq3A_34 = arith.cmpi eq, %arg0, %eq3A : i32
    %convert_element_type3A = arith.extui %eq3A_34 : i1 to i32
    %cond3A = arith.constant 0 : i32
    %cond3A_35 = arith.cmpi ne, %convert_element_type3A, %cond3A : i32
    scf.if %cond3A_35 {
      %add3A_43 = arith.constant 0 : i32
      %add3A_44 = vector.broadcast %add3A_43 : i32 to vector<16xi32>
      %add3A_45 = arith.addi %add3A_44, %iota3A : vector<16xi32>
      %mul3A_46 = arith.constant 1025 : i32
      %mul3A_47 = vector.broadcast %mul3A_46 : i32 to vector<16xi32>
      %mul3A_48 = arith.muli %add3A_45, %mul3A_47 : vector<16xi32>
      %add3A_49 = vector.broadcast %mul3A_1 : i32 to vector<16xi32>
      %add3A_50 = arith.addi %mul3A_48, %add3A_49 : vector<16xi32>
      tpu.vector_store_idx %arg6[%add3A_50], %broadcast_in_dim3A_0 {add = true} : memref<65536xf32, #tpu.memory_space<vmem>>[vector<16xi32>], vector<16xf32>,
      %add3A_51 = arith.constant 16 : i32
      %add3A_52 = vector.broadcast %add3A_51 : i32 to vector<16xi32>
      %add3A_53 = arith.addi %add3A_52, %iota3A : vector<16xi32>
      %mul3A_54 = arith.constant 1025 : i32
      %mul3A_55 = vector.broadcast %mul3A_54 : i32 to vector<16xi32>
      %mul3A_56 = arith.muli %add3A_53, %mul3A_55 : vector<16xi32>
      %add3A_57 = vector.broadcast %mul3A_1 : i32 to vector<16xi32>
      %add3A_58 = arith.addi %mul3A_56, %add3A_57 : vector<16xi32>
      tpu.vector_store_idx %arg6[%add3A_58], %broadcast_in_dim3A_0 {add = true} : memref<65536xf32, #tpu.memory_space<vmem>>[vector<16xi32>], vector<16xf32>,
      %add3A_59 = arith.constant 32 : i32
      %add3A_60 = vector.broadcast %add3A_59 : i32 to vector<16xi32>
      %add3A_61 = arith.addi %add3A_60, %iota3A : vector<16xi32>
      %mul3A_62 = arith.constant 1025 : i32
      %mul3A_63 = vector.broadcast %mul3A_62 : i32 to vector<16xi32>
      %mul3A_64 = arith.muli %add3A_61, %mul3A_63 : vector<16xi32>
      %add3A_65 = vector.broadcast %mul3A_1 : i32 to vector<16xi32>
      %add3A_66 = arith.addi %mul3A_64, %add3A_65 : vector<16xi32>
      tpu.vector_store_idx %arg6[%add3A_66], %broadcast_in_dim3A_0 {add = true} : memref<65536xf32, #tpu.memory_space<vmem>>[vector<16xi32>], vector<16xf32>,
      %add3A_67 = arith.constant 48 : i32
      %add3A_68 = vector.broadcast %add3A_67 : i32 to vector<16xi32>
      %add3A_69 = arith.addi %add3A_68, %iota3A : vector<16xi32>
      %mul3A_70 = arith.constant 1025 : i32
      %mul3A_71 = vector.broadcast %mul3A_70 : i32 to vector<16xi32>
      %mul3A_72 = arith.muli %add3A_69, %mul3A_71 : vector<16xi32>
      %add3A_73 = vector.broadcast %mul3A_1 : i32 to vector<16xi32>
      %add3A_74 = arith.addi %mul3A_72, %add3A_73 : vector<16xi32>
      tpu.vector_store_idx %arg6[%add3A_74], %broadcast_in_dim3A_0 {add = true} : memref<65536xf32, #tpu.memory_space<vmem>>[vector<16xi32>], vector<16xf32>,
    } else {
    }
    %mul3A_36 = arith.constant 1024 : i32
    %mul3A_37 = arith.muli %arg0, %mul3A_36 : i32
    %mul3A_38 = arith.constant 1024 : i32
    %mul3A_39 = arith.muli %mul3A_37, %mul3A_38 : i32
    %mul3A_40 = arith.constant 1024 : i32
    %mul3A_41 = arith.muli %mul3A_1, %mul3A_40 : i32
    %add3A_42 = arith.addi %mul3A_39, %mul3A_41 : i32
    "tpu.region"() ({
      %run_scoped3A = tpu.sem_alloc : memref<!tpu.dma_semaphore, #tpu.memory_space<semaphore_mem>>
      %dma_start3A_43 = tpu.memref_slice %arg4[%add3A_42] : memref<2097152xf32, #tpu.memory_space<hbm>> -> memref<65536xf32, #tpu.memory_space<hbm>>
      %dma_start3A_44 = tpu.memref_slice %arg4[%add3A_42] : memref<2097152xf32, #tpu.memory_space<hbm>> -> memref<65536xf32, #tpu.memory_space<hbm>>
      tpu.enqueue_dma source(%arg6 : memref<65536xf32, #tpu.memory_space<vmem>>) target(%dma_start3A_44 : memref<65536xf32, #tpu.memory_space<hbm>>) target_semaphore(%run_scoped3A : memref<!tpu.dma_semaphore, #tpu.memory_space<semaphore_mem>>)
      %dma_wait3A_45 = tpu.memref_slice %arg4[%add3A_42] : memref<2097152xf32, #tpu.memory_space<hbm>> -> memref<65536xf32, #tpu.memory_space<hbm>>
      %dma_wait3A_46 = tpu.memref_slice %arg4[%add3A_42] : memref<2097152xf32, #tpu.memory_space<hbm>> -> memref<65536xf32, #tpu.memory_space<hbm>>
      tpu.wait_dma2 semaphore(%run_scoped3A : memref<!tpu.dma_semaphore, #tpu.memory_space<semaphore_mem>>) src(%arg6 : memref<65536xf32, #tpu.memory_space<vmem>>) dst(%dma_wait3A_46 : memref<65536xf32, #tpu.memory_space<hbm>>)
      tpu.yield
    }) : () -> ()
    return
  }
}

#map = affine_map<(d0, d1) -> (0)>
module attributes {stable_mosaic.version = 14 : i64} {
  func.func @k(%arg0: i32, %arg1: i32, %arg2: memref<524288xi32, #tpu.memory_space<hbm>>, %arg3: memref<65536xf32, #tpu.memory_space<hbm>>, %arg4: memref<4194304xf32, #tpu.memory_space<hbm>>, %arg5: memref<8192xi32, #tpu.memory_space<vmem>>, %arg6: memref<65536xf32, #tpu.memory_space<vmem>>, %arg7: memref<!tpu.dma_semaphore, #tpu.memory_space<semaphore_mem>>, %arg8: memref<!tpu.dma_semaphore, #tpu.memory_space<semaphore_mem>>) attributes {dimension_semantics = [#tpu.dimension_semantics<core_parallel>, #tpu.dimension_semantics<subcore_parallel>], iteration_bounds = array<i64: 2, 16>, scalar_prefetch = 0 : i64, scratch_operands = 4 : i64, tpu.core_type = #tpu.core_type<sc_vector_subcore>, window_params = [{transform_indices = #map}, {transform_indices = #map}, {transform_indices = #map}]} {
    %mul3A = arith.constant 2 : i32
    %mul3A_0 = arith.muli %arg1, %mul3A : i32
    %add3A = arith.addi %mul3A_0, %arg0 : i32
    %broadcast_in_dim3A = arith.constant 1.000000e+00 : f32
    %broadcast_in_dim3A_1 = vector.broadcast %broadcast_in_dim3A : f32 to vector<16xf32>
    %iota3A = tpu.iota {dimensions = array<i32: 0>} : vector<16xi32>
    %scan3A = arith.constant 0 : i32
    %scan3A_2 = arith.constant 0 : i32
    %scan3A_3 = arith.constant 2 : i32
    %scan3A_4 = arith.addi %scan3A_2, %scan3A_3 : i32
    %scan3A_5 = arith.constant 1 : i32
    scf.for %scan3A_7 = %scan3A_2 to %scan3A_4 step %scan3A_5  : i32 {
      %mul3A_8 = arith.constant 32 : i32
      %mul3A_9 = arith.muli %add3A, %mul3A_8 : i32
      %mul3A_10 = arith.constant 16 : i32
      %mul3A_11 = arith.muli %scan3A_7, %mul3A_10 : i32
      %add3A_12 = arith.addi %mul3A_9, %mul3A_11 : i32
      %mul3A_13 = arith.constant 2 : i32
      %mul3A_14 = arith.muli %add3A_12, %mul3A_13 : i32
      %mul3A_15 = arith.constant 256 : i32
      %mul3A_16 = arith.muli %mul3A_14, %mul3A_15 : i32
      %dma_start3A = tpu.memref_slice %arg2[%mul3A_16] : memref<524288xi32, #tpu.memory_space<hbm>> -> memref<8192xi32, #tpu.memory_space<hbm>>
      %dma_start3A_17 = tpu.memref_slice %arg2[%mul3A_16] : memref<524288xi32, #tpu.memory_space<hbm>> -> memref<8192xi32, #tpu.memory_space<hbm>>
      tpu.enqueue_dma source(%dma_start3A_17 : memref<8192xi32, #tpu.memory_space<hbm>>) target(%arg5 : memref<8192xi32, #tpu.memory_space<vmem>>) target_semaphore(%arg7 : memref<!tpu.dma_semaphore, #tpu.memory_space<semaphore_mem>>)
      tpu.enqueue_dma source(%arg3 : memref<65536xf32, #tpu.memory_space<hbm>>) target(%arg6 : memref<65536xf32, #tpu.memory_space<vmem>>) target_semaphore(%arg8 : memref<!tpu.dma_semaphore, #tpu.memory_space<semaphore_mem>>)
      %dma_wait3A = tpu.memref_slice %arg2[%mul3A_16] : memref<524288xi32, #tpu.memory_space<hbm>> -> memref<8192xi32, #tpu.memory_space<hbm>>
      %dma_wait3A_18 = tpu.memref_slice %arg2[%mul3A_16] : memref<524288xi32, #tpu.memory_space<hbm>> -> memref<8192xi32, #tpu.memory_space<hbm>>
      tpu.wait_dma2 semaphore(%arg7 : memref<!tpu.dma_semaphore, #tpu.memory_space<semaphore_mem>>) src(%dma_wait3A_18 : memref<8192xi32, #tpu.memory_space<hbm>>) dst(%arg5 : memref<8192xi32, #tpu.memory_space<vmem>>)
      tpu.wait_dma2 semaphore(%arg8 : memref<!tpu.dma_semaphore, #tpu.memory_space<semaphore_mem>>) src(%arg3 : memref<65536xf32, #tpu.memory_space<hbm>>) dst(%arg6 : memref<65536xf32, #tpu.memory_space<vmem>>)
      %scan3A_19 = arith.constant 0 : i32
      %scan3A_20 = arith.constant 0 : i32
      %scan3A_21 = arith.constant 16 : i32
      %scan3A_22 = arith.addi %scan3A_20, %scan3A_21 : i32
      %scan3A_23 = arith.constant 1 : i32
      scf.for %scan3A_27 = %scan3A_20 to %scan3A_22 step %scan3A_23  : i32 {
        %mul3A_28 = arith.constant 4096 : i32
        %mul3A_29 = arith.muli %scan3A_27, %mul3A_28 : i32
        %scan3A_30 = arith.constant 0 : i32
        %scan3A_31 = arith.constant 0 : i32
        %scan3A_32 = arith.constant 4 : i32
        %scan3A_33 = arith.addi %scan3A_31, %scan3A_32 : i32
        %scan3A_34 = arith.constant 1 : i32
        scf.for %scan3A_68 = %scan3A_31 to %scan3A_33 step %scan3A_34  : i32 {
          %mul3A_69 = arith.constant 64 : i32
          %mul3A_70 = arith.muli %scan3A_68, %mul3A_69 : i32
          %add3A_71 = arith.constant 0 : i32
          %add3A_72 = arith.addi %mul3A_70, %add3A_71 : i32
          %mul3A_73 = arith.constant 2 : i32
          %mul3A_74 = arith.muli %mul3A_73, %scan3A_27 : i32
          %mul3A_75 = arith.constant 256 : i32
          %mul3A_76 = arith.muli %mul3A_74, %mul3A_75 : i32
          %add3A_77 = arith.addi %mul3A_76, %add3A_72 : i32
          %get3A = arith.index_cast %add3A_77 : i32 to index
          %get3A_78 = tpu.vector_load %arg5[%get3A] {strides = array<i32>} : memref<8192xi32, #tpu.memory_space<vmem>>, vector<16xi32>,
          %mul3A_79 = arith.constant 2 : i32
          %mul3A_80 = arith.muli %mul3A_79, %scan3A_27 : i32
          %add3A_81 = arith.constant 1 : i32
          %add3A_82 = arith.addi %mul3A_80, %add3A_81 : i32
          %mul3A_83 = arith.constant 256 : i32
          %mul3A_84 = arith.muli %add3A_82, %mul3A_83 : i32
          %add3A_85 = arith.addi %mul3A_84, %add3A_72 : i32
          %get3A_86 = arith.index_cast %add3A_85 : i32 to index
          %get3A_87 = tpu.vector_load %arg5[%get3A_86] {strides = array<i32>} : memref<8192xi32, #tpu.memory_space<vmem>>, vector<16xi32>,
          %mul3A_88 = arith.constant 64 : i32
          %mul3A_89 = vector.broadcast %mul3A_88 : i32 to vector<16xi32>
          %mul3A_90 = arith.muli %get3A_87, %mul3A_89 : vector<16xi32>
          %add3A_91 = vector.broadcast %mul3A_29 : i32 to vector<16xi32>
          %add3A_92 = arith.addi %add3A_91, %mul3A_90 : vector<16xi32>
          %add3A_93 = arith.addi %add3A_92, %get3A_78 : vector<16xi32>
          tpu.vector_store_idx %arg6[%add3A_93], %broadcast_in_dim3A_1 {add = true} : memref<65536xf32, #tpu.memory_space<vmem>>[vector<16xi32>], vector<16xf32>,
          %mul3A_94 = arith.constant 64 : i32
          %mul3A_95 = arith.muli %scan3A_68, %mul3A_94 : i32
          %add3A_96 = arith.constant 16 : i32
          %add3A_97 = arith.addi %mul3A_95, %add3A_96 : i32
          %mul3A_98 = arith.constant 2 : i32
          %mul3A_99 = arith.muli %mul3A_98, %scan3A_27 : i32
          %mul3A_100 = arith.constant 256 : i32
          %mul3A_101 = arith.muli %mul3A_99, %mul3A_100 : i32
          %add3A_102 = arith.addi %mul3A_101, %add3A_97 : i32
          %get3A_103 = arith.index_cast %add3A_102 : i32 to index
          %get3A_104 = tpu.vector_load %arg5[%get3A_103] {strides = array<i32>} : memref<8192xi32, #tpu.memory_space<vmem>>, vector<16xi32>,
          %mul3A_105 = arith.constant 2 : i32
          %mul3A_106 = arith.muli %mul3A_105, %scan3A_27 : i32
          %add3A_107 = arith.constant 1 : i32
          %add3A_108 = arith.addi %mul3A_106, %add3A_107 : i32
          %mul3A_109 = arith.constant 256 : i32
          %mul3A_110 = arith.muli %add3A_108, %mul3A_109 : i32
          %add3A_111 = arith.addi %mul3A_110, %add3A_97 : i32
          %get3A_112 = arith.index_cast %add3A_111 : i32 to index
          %get3A_113 = tpu.vector_load %arg5[%get3A_112] {strides = array<i32>} : memref<8192xi32, #tpu.memory_space<vmem>>, vector<16xi32>,
          %mul3A_114 = arith.constant 64 : i32
          %mul3A_115 = vector.broadcast %mul3A_114 : i32 to vector<16xi32>
          %mul3A_116 = arith.muli %get3A_113, %mul3A_115 : vector<16xi32>
          %add3A_117 = vector.broadcast %mul3A_29 : i32 to vector<16xi32>
          %add3A_118 = arith.addi %add3A_117, %mul3A_116 : vector<16xi32>
          %add3A_119 = arith.addi %add3A_118, %get3A_104 : vector<16xi32>
          tpu.vector_store_idx %arg6[%add3A_119], %broadcast_in_dim3A_1 {add = true} : memref<65536xf32, #tpu.memory_space<vmem>>[vector<16xi32>], vector<16xf32>,
          %mul3A_120 = arith.constant 64 : i32
          %mul3A_121 = arith.muli %scan3A_68, %mul3A_120 : i32
          %add3A_122 = arith.constant 32 : i32
          %add3A_123 = arith.addi %mul3A_121, %add3A_122 : i32
          %mul3A_124 = arith.constant 2 : i32
          %mul3A_125 = arith.muli %mul3A_124, %scan3A_27 : i32
          %mul3A_126 = arith.constant 256 : i32
          %mul3A_127 = arith.muli %mul3A_125, %mul3A_126 : i32
          %add3A_128 = arith.addi %mul3A_127, %add3A_123 : i32
          %get3A_129 = arith.index_cast %add3A_128 : i32 to index
          %get3A_130 = tpu.vector_load %arg5[%get3A_129] {strides = array<i32>} : memref<8192xi32, #tpu.memory_space<vmem>>, vector<16xi32>,
          %mul3A_131 = arith.constant 2 : i32
          %mul3A_132 = arith.muli %mul3A_131, %scan3A_27 : i32
          %add3A_133 = arith.constant 1 : i32
          %add3A_134 = arith.addi %mul3A_132, %add3A_133 : i32
          %mul3A_135 = arith.constant 256 : i32
          %mul3A_136 = arith.muli %add3A_134, %mul3A_135 : i32
          %add3A_137 = arith.addi %mul3A_136, %add3A_123 : i32
          %get3A_138 = arith.index_cast %add3A_137 : i32 to index
          %get3A_139 = tpu.vector_load %arg5[%get3A_138] {strides = array<i32>} : memref<8192xi32, #tpu.memory_space<vmem>>, vector<16xi32>,
          %mul3A_140 = arith.constant 64 : i32
          %mul3A_141 = vector.broadcast %mul3A_140 : i32 to vector<16xi32>
          %mul3A_142 = arith.muli %get3A_139, %mul3A_141 : vector<16xi32>
          %add3A_143 = vector.broadcast %mul3A_29 : i32 to vector<16xi32>
          %add3A_144 = arith.addi %add3A_143, %mul3A_142 : vector<16xi32>
          %add3A_145 = arith.addi %add3A_144, %get3A_130 : vector<16xi32>
          tpu.vector_store_idx %arg6[%add3A_145], %broadcast_in_dim3A_1 {add = true} : memref<65536xf32, #tpu.memory_space<vmem>>[vector<16xi32>], vector<16xf32>,
          %mul3A_146 = arith.constant 64 : i32
          %mul3A_147 = arith.muli %scan3A_68, %mul3A_146 : i32
          %add3A_148 = arith.constant 48 : i32
          %add3A_149 = arith.addi %mul3A_147, %add3A_148 : i32
          %mul3A_150 = arith.constant 2 : i32
          %mul3A_151 = arith.muli %mul3A_150, %scan3A_27 : i32
          %mul3A_152 = arith.constant 256 : i32
          %mul3A_153 = arith.muli %mul3A_151, %mul3A_152 : i32
          %add3A_154 = arith.addi %mul3A_153, %add3A_149 : i32
          %get3A_155 = arith.index_cast %add3A_154 : i32 to index
          %get3A_156 = tpu.vector_load %arg5[%get3A_155] {strides = array<i32>} : memref<8192xi32, #tpu.memory_space<vmem>>, vector<16xi32>,
          %mul3A_157 = arith.constant 2 : i32
          %mul3A_158 = arith.muli %mul3A_157, %scan3A_27 : i32
          %add3A_159 = arith.constant 1 : i32
          %add3A_160 = arith.addi %mul3A_158, %add3A_159 : i32
          %mul3A_161 = arith.constant 256 : i32
          %mul3A_162 = arith.muli %add3A_160, %mul3A_161 : i32
          %add3A_163 = arith.addi %mul3A_162, %add3A_149 : i32
          %get3A_164 = arith.index_cast %add3A_163 : i32 to index
          %get3A_165 = tpu.vector_load %arg5[%get3A_164] {strides = array<i32>} : memref<8192xi32, #tpu.memory_space<vmem>>, vector<16xi32>,
          %mul3A_166 = arith.constant 64 : i32
          %mul3A_167 = vector.broadcast %mul3A_166 : i32 to vector<16xi32>
          %mul3A_168 = arith.muli %get3A_165, %mul3A_167 : vector<16xi32>
          %add3A_169 = vector.broadcast %mul3A_29 : i32 to vector<16xi32>
          %add3A_170 = arith.addi %add3A_169, %mul3A_168 : vector<16xi32>
          %add3A_171 = arith.addi %add3A_170, %get3A_156 : vector<16xi32>
          tpu.vector_store_idx %arg6[%add3A_171], %broadcast_in_dim3A_1 {add = true} : memref<65536xf32, #tpu.memory_space<vmem>>[vector<16xi32>], vector<16xf32>,
        }
        %scan3A_35 = arith.constant 4 : i32
        %add3A_36 = arith.constant 0 : i32
        %add3A_37 = vector.broadcast %add3A_36 : i32 to vector<16xi32>
        %add3A_38 = arith.addi %add3A_37, %iota3A : vector<16xi32>
        %mul3A_39 = arith.constant 65 : i32
        %mul3A_40 = vector.broadcast %mul3A_39 : i32 to vector<16xi32>
        %mul3A_41 = arith.muli %add3A_38, %mul3A_40 : vector<16xi32>
        %add3A_42 = vector.broadcast %mul3A_29 : i32 to vector<16xi32>
        %add3A_43 = arith.addi %add3A_42, %mul3A_41 : vector<16xi32>
        tpu.vector_store_idx %arg6[%add3A_43], %broadcast_in_dim3A_1 {add = true} : memref<65536xf32, #tpu.memory_space<vmem>>[vector<16xi32>], vector<16xf32>,
        %add3A_44 = arith.constant 16 : i32
        %add3A_45 = vector.broadcast %add3A_44 : i32 to vector<16xi32>
        %add3A_46 = arith.addi %add3A_45, %iota3A : vector<16xi32>
        %mul3A_47 = arith.constant 65 : i32
        %mul3A_48 = vector.broadcast %mul3A_47 : i32 to vector<16xi32>
        %mul3A_49 = arith.muli %add3A_46, %mul3A_48 : vector<16xi32>
        %add3A_50 = vector.broadcast %mul3A_29 : i32 to vector<16xi32>
        %add3A_51 = arith.addi %add3A_50, %mul3A_49 : vector<16xi32>
        tpu.vector_store_idx %arg6[%add3A_51], %broadcast_in_dim3A_1 {add = true} : memref<65536xf32, #tpu.memory_space<vmem>>[vector<16xi32>], vector<16xf32>,
        %add3A_52 = arith.constant 32 : i32
        %add3A_53 = vector.broadcast %add3A_52 : i32 to vector<16xi32>
        %add3A_54 = arith.addi %add3A_53, %iota3A : vector<16xi32>
        %mul3A_55 = arith.constant 65 : i32
        %mul3A_56 = vector.broadcast %mul3A_55 : i32 to vector<16xi32>
        %mul3A_57 = arith.muli %add3A_54, %mul3A_56 : vector<16xi32>
        %add3A_58 = vector.broadcast %mul3A_29 : i32 to vector<16xi32>
        %add3A_59 = arith.addi %add3A_58, %mul3A_57 : vector<16xi32>
        tpu.vector_store_idx %arg6[%add3A_59], %broadcast_in_dim3A_1 {add = true} : memref<65536xf32, #tpu.memory_space<vmem>>[vector<16xi32>], vector<16xf32>,
        %add3A_60 = arith.constant 48 : i32
        %add3A_61 = vector.broadcast %add3A_60 : i32 to vector<16xi32>
        %add3A_62 = arith.addi %add3A_61, %iota3A : vector<16xi32>
        %mul3A_63 = arith.constant 65 : i32
        %mul3A_64 = vector.broadcast %mul3A_63 : i32 to vector<16xi32>
        %mul3A_65 = arith.muli %add3A_62, %mul3A_64 : vector<16xi32>
        %add3A_66 = vector.broadcast %mul3A_29 : i32 to vector<16xi32>
        %add3A_67 = arith.addi %add3A_66, %mul3A_65 : vector<16xi32>
        tpu.vector_store_idx %arg6[%add3A_67], %broadcast_in_dim3A_1 {add = true} : memref<65536xf32, #tpu.memory_space<vmem>>[vector<16xi32>], vector<16xf32>,
      }
      %scan3A_24 = arith.constant 16 : i32
      %mul3A_25 = arith.constant 4096 : i32
      %mul3A_26 = arith.muli %add3A_12, %mul3A_25 : i32
      "tpu.region"() ({
        %run_scoped3A = tpu.sem_alloc : memref<!tpu.dma_semaphore, #tpu.memory_space<semaphore_mem>>
        %dma_start3A_27 = tpu.memref_slice %arg4[%mul3A_26] : memref<4194304xf32, #tpu.memory_space<hbm>> -> memref<65536xf32, #tpu.memory_space<hbm>>
        %dma_start3A_28 = tpu.memref_slice %arg4[%mul3A_26] : memref<4194304xf32, #tpu.memory_space<hbm>> -> memref<65536xf32, #tpu.memory_space<hbm>>
        tpu.enqueue_dma source(%arg6 : memref<65536xf32, #tpu.memory_space<vmem>>) target(%dma_start3A_28 : memref<65536xf32, #tpu.memory_space<hbm>>) target_semaphore(%run_scoped3A : memref<!tpu.dma_semaphore, #tpu.memory_space<semaphore_mem>>)
        %dma_wait3A_29 = tpu.memref_slice %arg4[%mul3A_26] : memref<4194304xf32, #tpu.memory_space<hbm>> -> memref<65536xf32, #tpu.memory_space<hbm>>
        %dma_wait3A_30 = tpu.memref_slice %arg4[%mul3A_26] : memref<4194304xf32, #tpu.memory_space<hbm>> -> memref<65536xf32, #tpu.memory_space<hbm>>
        tpu.wait_dma2 semaphore(%run_scoped3A : memref<!tpu.dma_semaphore, #tpu.memory_space<semaphore_mem>>) src(%arg6 : memref<65536xf32, #tpu.memory_space<vmem>>) dst(%dma_wait3A_30 : memref<65536xf32, #tpu.memory_space<hbm>>)
        tpu.yield
      }) : () -> ()
    }
    %scan3A_6 = arith.constant 2 : i32
    return
  }
}

module attributes {stable_mosaic.version = 14 : i64} {
  func.func @_kg_body(%arg0: memref<1024x256xf32, #tpu.memory_space<vmem>>, %arg1: memref<2048x1024xf32, #tpu.memory_space<vmem>>, %arg2: memref<256x512xf32, #tpu.memory_space<vmem>>, %arg3: memref<1x512xf32, #tpu.memory_space<vmem>>, %arg4: memref<512x256xf32, #tpu.memory_space<vmem>>, %arg5: memref<1x256xf32, #tpu.memory_space<vmem>>, %arg6: memref<1024x256xf32, #tpu.memory_space<vmem>>) attributes {dimension_semantics = [], scalar_prefetch = 0 : i64, scratch_operands = 0 : i64, tpu.core_type = #tpu.core_type<tc>} {
    %get3A = arith.constant 0 : index
    %get3A_0 = arith.constant 0 : index
    %get3A_1 = vector.load %arg1[%get3A, %get3A_0] : memref<2048x1024xf32, #tpu.memory_space<vmem>>, vector<1024x1024xf32>
    %get3A_2 = arith.constant 1024 : index
    %get3A_3 = arith.constant 0 : index
    %get3A_4 = vector.load %arg1[%get3A_2, %get3A_3] : memref<2048x1024xf32, #tpu.memory_space<vmem>>, vector<1024x1024xf32>
    %add3A = arith.addf %get3A_1, %get3A_4 : vector<1024x1024xf32>
    %reduce_sum3A = arith.constant dense<0.000000e+00> : vector<1024xf32>
    %reduce_sum3A_5 = vector.multi_reduction <add>, %add3A, %reduce_sum3A [1] : vector<1024x1024xf32> to vector<1024xf32>
    %broadcast_in_dim3A = vector.shape_cast %reduce_sum3A_5 : vector<1024xf32> to vector<1024x1xf32>
    %rsqrt3A = math.rsqrt %broadcast_in_dim3A : vector<1024x1xf32>
    %get3A_6 = arith.constant 0 : index
    %get3A_7 = arith.constant 0 : index
    %get3A_8 = vector.load %arg0[%get3A_6, %get3A_7] : memref<1024x256xf32, #tpu.memory_space<vmem>>, vector<1024x256xf32>
    %get3A_9 = arith.constant 0 : index
    %get3A_10 = arith.constant 0 : index
    %get3A_11 = vector.load %arg2[%get3A_9, %get3A_10] : memref<256x512xf32, #tpu.memory_space<vmem>>, vector<256x512xf32>
    %dot_general3A = arith.constant dense<0.000000e+00> : vector<1024x512xf32>
    %dot_general3A_12 = tpu.matmul %get3A_8, %get3A_11, %dot_general3A {dimension_numbers = #tpu.dot_dimension_numbers<[1], [0], [0], [1], [0, 0, 1, 1], [], []>, transpose_lhs_hint = false} : vector<1024x256xf32>, vector<256x512xf32>, vector<1024x512xf32> -> vector<1024x512xf32>
    %mul3A = vector.broadcast %rsqrt3A : vector<1024x1xf32> to vector<1024x512xf32>
    %mul3A_13 = arith.mulf %mul3A, %dot_general3A_12 : vector<1024x512xf32>
    %dot_general3A_14 = arith.constant dense<0.000000e+00> : vector<1024x512xf32>
    %dot_general3A_15 = tpu.matmul %add3A, %mul3A_13, %dot_general3A_14 {dimension_numbers = #tpu.dot_dimension_numbers<[1], [0], [0], [1], [0, 0, 1, 1], [], []>, transpose_lhs_hint = false} : vector<1024x1024xf32>, vector<1024x512xf32>, vector<1024x512xf32> -> vector<1024x512xf32>
    %mul3A_16 = vector.broadcast %rsqrt3A : vector<1024x1xf32> to vector<1024x512xf32>
    %mul3A_17 = arith.mulf %mul3A_16, %dot_general3A_15 : vector<1024x512xf32>
    %get3A_18 = arith.constant 0 : index
    %get3A_19 = arith.constant 0 : index
    %get3A_20 = vector.load %arg3[%get3A_18, %get3A_19] : memref<1x512xf32, #tpu.memory_space<vmem>>, vector<1x512xf32>
    %add3A_21 = vector.broadcast %get3A_20 : vector<1x512xf32> to vector<1024x512xf32>
    %add3A_22 = arith.addf %mul3A_17, %add3A_21 : vector<1024x512xf32>
    %max3A = arith.constant 0.000000e+00 : f32
    %max3A_23 = vector.broadcast %max3A : f32 to vector<1024x512xf32>
    %max3A_24 = arith.maximumf %add3A_22, %max3A_23 : vector<1024x512xf32>
    %get3A_25 = arith.constant 0 : index
    %get3A_26 = arith.constant 0 : index
    %get3A_27 = vector.load %arg4[%get3A_25, %get3A_26] : memref<512x256xf32, #tpu.memory_space<vmem>>, vector<512x256xf32>
    %dot_general3A_28 = arith.constant dense<0.000000e+00> : vector<1024x256xf32>
    %dot_general3A_29 = tpu.matmul %max3A_24, %get3A_27, %dot_general3A_28 {dimension_numbers = #tpu.dot_dimension_numbers<[1], [0], [0], [1], [0, 0, 1, 1], [], []>, transpose_lhs_hint = false} : vector<1024x512xf32>, vector<512x256xf32>, vector<1024x256xf32> -> vector<1024x256xf32>
    %mul3A_30 = vector.broadcast %rsqrt3A : vector<1024x1xf32> to vector<1024x256xf32>
    %mul3A_31 = arith.mulf %mul3A_30, %dot_general3A_29 : vector<1024x256xf32>
    %dot_general3A_32 = arith.constant dense<0.000000e+00> : vector<1024x256xf32>
    %dot_general3A_33 = tpu.matmul %add3A, %mul3A_31, %dot_general3A_32 {dimension_numbers = #tpu.dot_dimension_numbers<[1], [0], [0], [1], [0, 0, 1, 1], [], []>, transpose_lhs_hint = false} : vector<1024x1024xf32>, vector<1024x256xf32>, vector<1024x256xf32> -> vector<1024x256xf32>
    %mul3A_34 = vector.broadcast %rsqrt3A : vector<1024x1xf32> to vector<1024x256xf32>
    %mul3A_35 = arith.mulf %mul3A_34, %dot_general3A_33 : vector<1024x256xf32>
    %get3A_36 = arith.constant 0 : index
    %get3A_37 = arith.constant 0 : index
    %get3A_38 = vector.load %arg5[%get3A_36, %get3A_37] : memref<1x256xf32, #tpu.memory_space<vmem>>, vector<1x256xf32>
    %add3A_39 = vector.broadcast %get3A_38 : vector<1x256xf32> to vector<1024x256xf32>
    %add3A_40 = arith.addf %mul3A_35, %add3A_39 : vector<1024x256xf32>
    %swap3A = arith.constant 0 : index
    %swap3A_41 = arith.constant 0 : index
    %swap3A_42 = vector.load %arg6[%swap3A, %swap3A_41] : memref<1024x256xf32, #tpu.memory_space<vmem>>, vector<1024x256xf32>
    tpu.vector_store %arg6[%swap3A, %swap3A_41], %add3A_40 {strides = array<i32>} : memref<1024x256xf32, #tpu.memory_space<vmem>>, vector<1024x256xf32>,
    return
  }
}

module attributes {stable_mosaic.version = 14 : i64} {
  func.func @_mol_body(%arg0: i32, %arg1: memref<512x128xf32, #tpu.memory_space<vmem>>, %arg2: memref<512x64xf32, #tpu.memory_space<vmem>>, %arg3: memref<128x528xbf16, #tpu.memory_space<vmem>>, %arg4: memref<1x512xf32, #tpu.memory_space<vmem>>, %arg5: memref<512x258xbf16, #tpu.memory_space<vmem>>, %arg6: memref<1x256xf32, #tpu.memory_space<vmem>>, %arg7: memref<64x512xbf16, #tpu.memory_space<vmem>>, %arg8: memref<512x512xbf16, #tpu.memory_space<vmem>>, %arg9: memref<8x512xbf16, #tpu.memory_space<vmem>>, %arg10: memref<512x8xbf16, #tpu.memory_space<vmem>>, %arg11: memref<8x512xbf16, #tpu.memory_space<vmem>>, %arg12: memref<512x8xbf16, #tpu.memory_space<vmem>>, %arg13: memref<8x256xf32, #tpu.memory_space<vmem>>) attributes {dimension_semantics = [#tpu.dimension_semantics<arbitrary>], iteration_bounds = array<i64: 128>, scalar_prefetch = 0 : i64, scratch_operands = 0 : i64, tpu.core_type = #tpu.core_type<tc>, window_params = [{transform_indices = @transform_0, window_bounds = array<i64: 512, 128>}, {transform_indices = @transform_1, window_bounds = array<i64: 512, 64>}, {pipeline_mode = #tpu.pipeline_mode<synchronous>, transform_indices = @transform_2, window_bounds = array<i64: 128, 528>}, {pipeline_mode = #tpu.pipeline_mode<synchronous>, transform_indices = @transform_3, window_bounds = array<i64: 1, 512>}, {pipeline_mode = #tpu.pipeline_mode<synchronous>, transform_indices = @transform_4, window_bounds = array<i64: 512, 258>}, {pipeline_mode = #tpu.pipeline_mode<synchronous>, transform_indices = @transform_5, window_bounds = array<i64: 1, 256>}, {pipeline_mode = #tpu.pipeline_mode<synchronous>, transform_indices = @transform_6, window_bounds = array<i64: 64, 512>}, {pipeline_mode = #tpu.pipeline_mode<synchronous>, transform_indices = @transform_7, window_bounds = array<i64: 512, 512>}, {pipeline_mode = #tpu.pipeline_mode<synchronous>, transform_indices = @transform_8, window_bounds = array<i64: 8, 512>}, {pipeline_mode = #tpu.pipeline_mode<synchronous>, transform_indices = @transform_9, window_bounds = array<i64: 512, 8>}, {pipeline_mode = #tpu.pipeline_mode<synchronous>, transform_indices = @transform_10, window_bounds = array<i64: 8, 512>}, {pipeline_mode = #tpu.pipeline_mode<synchronous>, transform_indices = @transform_11, window_bounds = array<i64: 512, 8>}, {transform_indices = @transform_12, window_bounds = array<i64: 8, 256>}]} {
    %get3A = arith.constant 0 : index
    %get3A_0 = arith.constant 0 : index
    %get3A_1 = vector.load %arg1[%get3A, %get3A_0] : memref<512x128xf32, #tpu.memory_space<vmem>>, vector<512x128xf32>
    %convert_element_type3A = arith.truncf %get3A_1 : vector<512x128xf32> to vector<512x128xbf16>
    %get3A_2 = arith.constant 0 : index
    %get3A_3 = arith.constant 0 : index
    %get3A_4 = vector.load %arg3[%get3A_2, %get3A_3] : memref<128x528xbf16, #tpu.memory_space<vmem>>, vector<128x528xbf16>
    %dot_general3A = arith.constant dense<0.000000e+00> : vector<512x528xf32>
    %dot_general3A_5 = tpu.matmul %convert_element_type3A, %get3A_4, %dot_general3A {dimension_numbers = #tpu.dot_dimension_numbers<[1], [0], [0], [1], [0, 0, 1, 1], [], []>, transpose_lhs_hint = false} : vector<512x128xbf16>, vector<128x528xbf16>, vector<512x528xf32> -> vector<512x528xf32>
    %slice3A = vector.extract_strided_slice %dot_general3A_5 {offsets = [0, 0], sizes = [512, 512], strides = [1, 1]} : vector<512x528xf32> to vector<512x512xf32>
    %convert_element_type3A_6 = arith.truncf %slice3A : vector<512x512xf32> to vector<512x512xbf16>
    %slice3A_7 = vector.extract_strided_slice %dot_general3A_5 {offsets = [0, 512], sizes = [512, 8], strides = [1, 1]} : vector<512x528xf32> to vector<512x8xf32>
    %convert_element_type3A_8 = arith.truncf %slice3A_7 : vector<512x8xf32> to vector<512x8xbf16>
    %slice3A_9 = vector.extract_strided_slice %dot_general3A_5 {offsets = [0, 520], sizes = [512, 8], strides = [1, 1]} : vector<512x528xf32> to vector<512x8xf32>
    %convert_element_type3A_10 = arith.truncf %slice3A_9 : vector<512x8xf32> to vector<512x8xbf16>
    %get3A_11 = arith.constant 0 : index
    %get3A_12 = arith.constant 0 : index
    %get3A_13 = vector.load %arg7[%get3A_11, %get3A_12] : memref<64x512xbf16, #tpu.memory_space<vmem>>, vector<64x512xbf16>
    %get3A_14 = arith.constant 0 : index
    %get3A_15 = arith.constant 0 : index
    %get3A_16 = vector.load %arg8[%get3A_14, %get3A_15] : memref<512x512xbf16, #tpu.memory_space<vmem>>, vector<512x512xbf16>
    %get3A_17 = arith.constant 0 : index
    %get3A_18 = arith.constant 0 : index
    %get3A_19 = vector.load %arg9[%get3A_17, %get3A_18] : memref<8x512xbf16, #tpu.memory_space<vmem>>, vector<8x512xbf16>
    %get3A_20 = arith.constant 0 : index
    %get3A_21 = arith.constant 0 : index
    %get3A_22 = vector.load %arg11[%get3A_20, %get3A_21] : memref<8x512xbf16, #tpu.memory_space<vmem>>, vector<8x512xbf16>
    %get3A_23 = arith.constant 0 : index
    %get3A_24 = arith.constant 0 : index
    %get3A_25 = vector.load %arg12[%get3A_23, %get3A_24] : memref<512x8xbf16, #tpu.memory_space<vmem>>, vector<512x8xbf16>
    %dot_general3A_26 = arith.constant dense<0.000000e+00> : vector<512x512xf32>
    %dot_general3A_27 = tpu.matmul %convert_element_type3A_10, %get3A_22, %dot_general3A_26 {dimension_numbers = #tpu.dot_dimension_numbers<[1], [0], [0], [1], [0, 0, 1, 1], [], []>, transpose_lhs_hint = false} : vector<512x8xbf16>, vector<8x512xbf16>, vector<512x512xf32> -> vector<512x512xf32>
    %dot_general3A_28 = arith.constant dense<0.000000e+00> : vector<512x512xf32>
    %dot_general3A_29 = tpu.matmul %convert_element_type3A_8, %get3A_22, %dot_general3A_28 {dimension_numbers = #tpu.dot_dimension_numbers<[1], [0], [0], [1], [0, 0, 1, 1], [], []>, transpose_lhs_hint = false} : vector<512x8xbf16>, vector<8x512xbf16>, vector<512x512xf32> -> vector<512x512xf32>
    %convert_element_type3A_30 = arith.truncf %dot_general3A_29 : vector<512x512xf32> to vector<512x512xbf16>
    %mul3A = arith.mulf %convert_element_type3A_30, %get3A_16 : vector<512x512xbf16>
    %dot_general3A_31 = arith.constant dense<0.000000e+00> : vector<8x512xf32>
    %dot_general3A_32 = tpu.matmul %get3A_19, %mul3A, %dot_general3A_31 {dimension_numbers = #tpu.dot_dimension_numbers<[1], [0], [0], [1], [0, 0, 1, 1], [], []>, transpose_lhs_hint = false} : vector<8x512xbf16>, vector<512x512xbf16>, vector<8x512xf32> -> vector<8x512xf32>
    %get3A_33 = arith.constant 0 : index
    %get3A_34 = arith.constant 0 : index
    %get3A_35 = vector.load %arg10[%get3A_33, %get3A_34] : memref<512x8xbf16, #tpu.memory_space<vmem>>, vector<512x8xbf16>
    %convert_element_type3A_36 = arith.truncf %dot_general3A_32 : vector<8x512xf32> to vector<8x512xbf16>
    %dot_general3A_37 = arith.constant dense<0.000000e+00> : vector<512x512xf32>
    %dot_general3A_38 = tpu.matmul %get3A_35, %convert_element_type3A_36, %dot_general3A_37 {dimension_numbers = #tpu.dot_dimension_numbers<[1], [0], [0], [1], [0, 0, 1, 1], [], []>, transpose_lhs_hint = false} : vector<512x8xbf16>, vector<8x512xbf16>, vector<512x512xf32> -> vector<512x512xf32>
    %get3A_39 = arith.constant 0 : index
    %get3A_40 = arith.constant 0 : index
    %get3A_41 = vector.load %arg2[%get3A_39, %get3A_40] : memref<512x64xf32, #tpu.memory_space<vmem>>, vector<512x64xf32>
    %convert_element_type3A_42 = arith.truncf %get3A_41 : vector<512x64xf32> to vector<512x64xbf16>
    %slice3A_43 = vector.extract_strided_slice %convert_element_type3A_42 {offsets = [0, 0], sizes = [64, 64], strides = [1, 1]} : vector<512x64xbf16> to vector<64x64xbf16>
    %dot_general3A_44 = arith.constant dense<0.000000e+00> : vector<64x512xf32>
    %dot_general3A_45 = tpu.matmul %slice3A_43, %get3A_13, %dot_general3A_44 {dimension_numbers = #tpu.dot_dimension_numbers<[1], [0], [0], [1], [0, 0, 1, 1], [], []>, transpose_lhs_hint = false} : vector<64x64xbf16>, vector<64x512xbf16>, vector<64x512xf32> -> vector<64x512xf32>
    %slice3A_46 = vector.extract_strided_slice %convert_element_type3A_42 {offsets = [64, 0], sizes = [64, 64], strides = [1, 1]} : vector<512x64xbf16> to vector<64x64xbf16>
    %dot_general3A_47 = arith.constant dense<0.000000e+00> : vector<64x512xf32>
    %dot_general3A_48 = tpu.matmul %slice3A_46, %get3A_13, %dot_general3A_47 {dimension_numbers = #tpu.dot_dimension_numbers<[1], [0], [0], [1], [0, 0, 1, 1], [], []>, transpose_lhs_hint = false} : vector<64x64xbf16>, vector<64x512xbf16>, vector<64x512xf32> -> vector<64x512xf32>
    %slice3A_49 = vector.extract_strided_slice %convert_element_type3A_42 {offsets = [128, 0], sizes = [64, 64], strides = [1, 1]} : vector<512x64xbf16> to vector<64x64xbf16>
    %dot_general3A_50 = arith.constant dense<0.000000e+00> : vector<64x512xf32>
    %dot_general3A_51 = tpu.matmul %slice3A_49, %get3A_13, %dot_general3A_50 {dimension_numbers = #tpu.dot_dimension_numbers<[1], [0], [0], [1], [0, 0, 1, 1], [], []>, transpose_lhs_hint = false} : vector<64x64xbf16>, vector<64x512xbf16>, vector<64x512xf32> -> vector<64x512xf32>
    %slice3A_52 = vector.extract_strided_slice %convert_element_type3A_42 {offsets = [192, 0], sizes = [64, 64], strides = [1, 1]} : vector<512x64xbf16> to vector<64x64xbf16>
    %dot_general3A_53 = arith.constant dense<0.000000e+00> : vector<64x512xf32>
    %dot_general3A_54 = tpu.matmul %slice3A_52, %get3A_13, %dot_general3A_53 {dimension_numbers = #tpu.dot_dimension_numbers<[1], [0], [0], [1], [0, 0, 1, 1], [], []>, transpose_lhs_hint = false} : vector<64x64xbf16>, vector<64x512xbf16>, vector<64x512xf32> -> vector<64x512xf32>
    %slice3A_55 = vector.extract_strided_slice %convert_element_type3A_42 {offsets = [256, 0], sizes = [64, 64], strides = [1, 1]} : vector<512x64xbf16> to vector<64x64xbf16>
    %dot_general3A_56 = arith.constant dense<0.000000e+00> : vector<64x512xf32>
    %dot_general3A_57 = tpu.matmul %slice3A_55, %get3A_13, %dot_general3A_56 {dimension_numbers = #tpu.dot_dimension_numbers<[1], [0], [0], [1], [0, 0, 1, 1], [], []>, transpose_lhs_hint = false} : vector<64x64xbf16>, vector<64x512xbf16>, vector<64x512xf32> -> vector<64x512xf32>
    %slice3A_58 = vector.extract_strided_slice %convert_element_type3A_42 {offsets = [320, 0], sizes = [64, 64], strides = [1, 1]} : vector<512x64xbf16> to vector<64x64xbf16>
    %dot_general3A_59 = arith.constant dense<0.000000e+00> : vector<64x512xf32>
    %dot_general3A_60 = tpu.matmul %slice3A_58, %get3A_13, %dot_general3A_59 {dimension_numbers = #tpu.dot_dimension_numbers<[1], [0], [0], [1], [0, 0, 1, 1], [], []>, transpose_lhs_hint = false} : vector<64x64xbf16>, vector<64x512xbf16>, vector<64x512xf32> -> vector<64x512xf32>
    %slice3A_61 = vector.extract_strided_slice %convert_element_type3A_42 {offsets = [384, 0], sizes = [64, 64], strides = [1, 1]} : vector<512x64xbf16> to vector<64x64xbf16>
    %dot_general3A_62 = arith.constant dense<0.000000e+00> : vector<64x512xf32>
    %dot_general3A_63 = tpu.matmul %slice3A_61, %get3A_13, %dot_general3A_62 {dimension_numbers = #tpu.dot_dimension_numbers<[1], [0], [0], [1], [0, 0, 1, 1], [], []>, transpose_lhs_hint = false} : vector<64x64xbf16>, vector<64x512xbf16>, vector<64x512xf32> -> vector<64x512xf32>
    %slice3A_64 = vector.extract_strided_slice %convert_element_type3A_42 {offsets = [448, 0], sizes = [64, 64], strides = [1, 1]} : vector<512x64xbf16> to vector<64x64xbf16>
    %dot_general3A_65 = arith.constant dense<0.000000e+00> : vector<64x512xf32>
    %dot_general3A_66 = tpu.matmul %slice3A_64, %get3A_13, %dot_general3A_65 {dimension_numbers = #tpu.dot_dimension_numbers<[1], [0], [0], [1], [0, 0, 1, 1], [], []>, transpose_lhs_hint = false} : vector<64x64xbf16>, vector<64x512xbf16>, vector<64x512xf32> -> vector<64x512xf32>
    %concatenate3A = tpu.concatenate %dot_general3A_45, %dot_general3A_48, %dot_general3A_51, %dot_general3A_54, %dot_general3A_57, %dot_general3A_60, %dot_general3A_63, %dot_general3A_66 in 0 : vector<64x512xf32>, vector<64x512xf32>, vector<64x512xf32>, vector<64x512xf32>, vector<64x512xf32>, vector<64x512xf32>, vector<64x512xf32>, vector<64x512xf32> -> vector<512x512xf32>
    %add3A = arith.addf %dot_general3A_27, %dot_general3A_38 : vector<512x512xf32>
    %ge3A = arith.constant 0.000000e+00 : f32
    %ge3A_67 = vector.broadcast %ge3A : f32 to vector<512x512xf32>
    %ge3A_68 = arith.cmpf oge, %add3A, %ge3A_67 : vector<512x512xf32>
    %mul3A_69 = arith.constant 2.000000e-01 : f32
    %mul3A_70 = vector.broadcast %mul3A_69 : f32 to vector<512x512xf32>
    %mul3A_71 = arith.mulf %mul3A_70, %add3A : vector<512x512xf32>
    %select_n3A = arith.select %ge3A_68, %add3A, %mul3A_71 : vector<512x512xi1>, vector<512x512xf32>
    %exp3A = math.exp %select_n3A : vector<512x512xf32>
    %mul3A_72 = arith.mulf %concatenate3A, %exp3A : vector<512x512xf32>
    %convert_element_type3A_73 = arith.truncf %mul3A_72 : vector<512x512xf32> to vector<512x512xbf16>
    %dot_general3A_74 = arith.constant dense<0.000000e+00> : vector<512x8xf32>
    %dot_general3A_75 = tpu.matmul %convert_element_type3A_73, %get3A_25, %dot_general3A_74 {dimension_numbers = #tpu.dot_dimension_numbers<[1], [0], [0], [1], [0, 0, 1, 1], [], []>, transpose_lhs_hint = false} : vector<512x512xbf16>, vector<512x8xbf16>, vector<512x8xf32> -> vector<512x8xf32>
    %add3A_76 = arith.constant 1.000000e-16 : f32
    %add3A_77 = vector.broadcast %add3A_76 : f32 to vector<512x8xf32>
    %add3A_78 = arith.addf %dot_general3A_75, %add3A_77 : vector<512x8xf32>
    %div3A = arith.constant 1.000000e+00 : f32
    %div3A_79 = vector.broadcast %div3A : f32 to vector<512x8xf32>
    %div3A_80 = arith.divf %div3A_79, %add3A_78 : vector<512x8xf32>
    %convert_element_type3A_81 = arith.truncf %div3A_80 : vector<512x8xf32> to vector<512x8xbf16>
    %dot_general3A_82 = arith.constant dense<0.000000e+00> : vector<512x512xf32>
    %dot_general3A_83 = tpu.matmul %convert_element_type3A_81, %get3A_22, %dot_general3A_82 {dimension_numbers = #tpu.dot_dimension_numbers<[1], [0], [0], [1], [0, 0, 1, 1], [], []>, transpose_lhs_hint = false} : vector<512x8xbf16>, vector<8x512xbf16>, vector<512x512xf32> -> vector<512x512xf32>
    %slice3A_84 = vector.extract_strided_slice %convert_element_type3A_73 {offsets = [0, 0], sizes = [64, 512], strides = [1, 1]} : vector<512x512xbf16> to vector<64x512xbf16>
    %slice3A_85 = vector.extract_strided_slice %slice3A_84 {offsets = [0, 0], sizes = [64, 64], strides = [1, 1]} : vector<64x512xbf16> to vector<64x64xbf16>
    %slice3A_86 = vector.extract_strided_slice %convert_element_type3A_6 {offsets = [0, 0], sizes = [64, 64], strides = [1, 1]} : vector<512x512xbf16> to vector<64x64xbf16>
    %dot_general3A_87 = arith.constant dense<0.000000e+00> : vector<64x64xf32>
    %dot_general3A_88 = tpu.matmul %slice3A_85, %slice3A_86, %dot_general3A_87 {dimension_numbers = #tpu.dot_dimension_numbers<[1], [0], [0], [1], [0, 0, 1, 1], [], []>, transpose_lhs_hint = false} : vector<64x64xbf16>, vector<64x64xbf16>, vector<64x64xf32> -> vector<64x64xf32>
    %slice3A_89 = vector.extract_strided_slice %slice3A_84 {offsets = [0, 64], sizes = [64, 64], strides = [1, 1]} : vector<64x512xbf16> to vector<64x64xbf16>
    %slice3A_90 = vector.extract_strided_slice %convert_element_type3A_6 {offsets = [0, 64], sizes = [64, 64], strides = [1, 1]} : vector<512x512xbf16> to vector<64x64xbf16>
    %dot_general3A_91 = arith.constant dense<0.000000e+00> : vector<64x64xf32>
    %dot_general3A_92 = tpu.matmul %slice3A_89, %slice3A_90, %dot_general3A_91 {dimension_numbers = #tpu.dot_dimension_numbers<[1], [0], [0], [1], [0, 0, 1, 1], [], []>, transpose_lhs_hint = false} : vector<64x64xbf16>, vector<64x64xbf16>, vector<64x64xf32> -> vector<64x64xf32>
    %slice3A_93 = vector.extract_strided_slice %slice3A_84 {offsets = [0, 128], sizes = [64, 64], strides = [1, 1]} : vector<64x512xbf16> to vector<64x64xbf16>
    %slice3A_94 = vector.extract_strided_slice %convert_element_type3A_6 {offsets = [0, 128], sizes = [64, 64], strides = [1, 1]} : vector<512x512xbf16> to vector<64x64xbf16>
    %dot_general3A_95 = arith.constant dense<0.000000e+00> : vector<64x64xf32>
    %dot_general3A_96 = tpu.matmul %slice3A_93, %slice3A_94, %dot_general3A_95 {dimension_numbers = #tpu.dot_dimension_numbers<[1], [0], [0], [1], [0, 0, 1, 1], [], []>, transpose_lhs_hint = false} : vector<64x64xbf16>, vector<64x64xbf16>, vector<64x64xf32> -> vector<64x64xf32>
    %slice3A_97 = vector.extract_strided_slice %slice3A_84 {offsets = [0, 192], sizes = [64, 64], strides = [1, 1]} : vector<64x512xbf16> to vector<64x64xbf16>
    %slice3A_98 = vector.extract_strided_slice %convert_element_type3A_6 {offsets = [0, 192], sizes = [64, 64], strides = [1, 1]} : vector<512x512xbf16> to vector<64x64xbf16>
    %dot_general3A_99 = arith.constant dense<0.000000e+00> : vector<64x64xf32>
    %dot_general3A_100 = tpu.matmul %slice3A_97, %slice3A_98, %dot_general3A_99 {dimension_numbers = #tpu.dot_dimension_numbers<[1], [0], [0], [1], [0, 0, 1, 1], [], []>, transpose_lhs_hint = false} : vector<64x64xbf16>, vector<64x64xbf16>, vector<64x64xf32> -> vector<64x64xf32>
    %slice3A_101 = vector.extract_strided_slice %slice3A_84 {offsets = [0, 256], sizes = [64, 64], strides = [1, 1]} : vector<64x512xbf16> to vector<64x64xbf16>
    %slice3A_102 = vector.extract_strided_slice %convert_element_type3A_6 {offsets = [0, 256], sizes = [64, 64], strides = [1, 1]} : vector<512x512xbf16> to vector<64x64xbf16>
    %dot_general3A_103 = arith.constant dense<0.000000e+00> : vector<64x64xf32>
    %dot_general3A_104 = tpu.matmul %slice3A_101, %slice3A_102, %dot_general3A_103 {dimension_numbers = #tpu.dot_dimension_numbers<[1], [0], [0], [1], [0, 0, 1, 1], [], []>, transpose_lhs_hint = false} : vector<64x64xbf16>, vector<64x64xbf16>, vector<64x64xf32> -> vector<64x64xf32>
    %slice3A_105 = vector.extract_strided_slice %slice3A_84 {offsets = [0, 320], sizes = [64, 64], strides = [1, 1]} : vector<64x512xbf16> to vector<64x64xbf16>
    %slice3A_106 = vector.extract_strided_slice %convert_element_type3A_6 {offsets = [0, 320], sizes = [64, 64], strides = [1, 1]} : vector<512x512xbf16> to vector<64x64xbf16>
    %dot_general3A_107 = arith.constant dense<0.000000e+00> : vector<64x64xf32>
    %dot_general3A_108 = tpu.matmul %slice3A_105, %slice3A_106, %dot_general3A_107 {dimension_numbers = #tpu.dot_dimension_numbers<[1], [0], [0], [1], [0, 0, 1, 1], [], []>, transpose_lhs_hint = false} : vector<64x64xbf16>, vector<64x64xbf16>, vector<64x64xf32> -> vector<64x64xf32>
    %slice3A_109 = vector.extract_strided_slice %slice3A_84 {offsets = [0, 384], sizes = [64, 64], strides = [1, 1]} : vector<64x512xbf16> to vector<64x64xbf16>
    %slice3A_110 = vector.extract_strided_slice %convert_element_type3A_6 {offsets = [0, 384], sizes = [64, 64], strides = [1, 1]} : vector<512x512xbf16> to vector<64x64xbf16>
    %dot_general3A_111 = arith.constant dense<0.000000e+00> : vector<64x64xf32>
    %dot_general3A_112 = tpu.matmul %slice3A_109, %slice3A_110, %dot_general3A_111 {dimension_numbers = #tpu.dot_dimension_numbers<[1], [0], [0], [1], [0, 0, 1, 1], [], []>, transpose_lhs_hint = false} : vector<64x64xbf16>, vector<64x64xbf16>, vector<64x64xf32> -> vector<64x64xf32>
    %slice3A_113 = vector.extract_strided_slice %slice3A_84 {offsets = [0, 448], sizes = [64, 64], strides = [1, 1]} : vector<64x512xbf16> to vector<64x64xbf16>
    %slice3A_114 = vector.extract_strided_slice %convert_element_type3A_6 {offsets = [0, 448], sizes = [64, 64], strides = [1, 1]} : vector<512x512xbf16> to vector<64x64xbf16>
    %dot_general3A_115 = arith.constant dense<0.000000e+00> : vector<64x64xf32>
    %dot_general3A_116 = tpu.matmul %slice3A_113, %slice3A_114, %dot_general3A_115 {dimension_numbers = #tpu.dot_dimension_numbers<[1], [0], [0], [1], [0, 0, 1, 1], [], []>, transpose_lhs_hint = false} : vector<64x64xbf16>, vector<64x64xbf16>, vector<64x64xf32> -> vector<64x64xf32>
    %concatenate3A_117 = tpu.concatenate %dot_general3A_88, %dot_general3A_92, %dot_general3A_96, %dot_general3A_100, %dot_general3A_104, %dot_general3A_108, %dot_general3A_112, %dot_general3A_116 in 1 : vector<64x64xf32>, vector<64x64xf32>, vector<64x64xf32>, vector<64x64xf32>, vector<64x64xf32>, vector<64x64xf32>, vector<64x64xf32>, vector<64x64xf32> -> vector<64x512xf32>
    %slice3A_118 = vector.extract_strided_slice %convert_element_type3A_73 {offsets = [64, 0], sizes = [64, 512], strides = [1, 1]} : vector<512x512xbf16> to vector<64x512xbf16>
    %slice3A_119 = vector.extract_strided_slice %slice3A_118 {offsets = [0, 0], sizes = [64, 64], strides = [1, 1]} : vector<64x512xbf16> to vector<64x64xbf16>
    %slice3A_120 = vector.extract_strided_slice %convert_element_type3A_6 {offsets = [64, 0], sizes = [64, 64], strides = [1, 1]} : vector<512x512xbf16> to vector<64x64xbf16>
    %dot_general3A_121 = arith.constant dense<0.000000e+00> : vector<64x64xf32>
    %dot_general3A_122 = tpu.matmul %slice3A_119, %slice3A_120, %dot_general3A_121 {dimension_numbers = #tpu.dot_dimension_numbers<[1], [0], [0], [1], [0, 0, 1, 1], [], []>, transpose_lhs_hint = false} : vector<64x64xbf16>, vector<64x64xbf16>, vector<64x64xf32> -> vector<64x64xf32>
    %slice3A_123 = vector.extract_strided_slice %slice3A_118 {offsets = [0, 64], sizes = [64, 64], strides = [1, 1]} : vector<64x512xbf16> to vector<64x64xbf16>
    %slice3A_124 = vector.extract_strided_slice %convert_element_type3A_6 {offsets = [64, 64], sizes = [64, 64], strides = [1, 1]} : vector<512x512xbf16> to vector<64x64xbf16>
    %dot_general3A_125 = arith.constant dense<0.000000e+00> : vector<64x64xf32>
    %dot_general3A_126 = tpu.matmul %slice3A_123, %slice3A_124, %dot_general3A_125 {dimension_numbers = #tpu.dot_dimension_numbers<[1], [0], [0], [1], [0, 0, 1, 1], [], []>, transpose_lhs_hint = false} : vector<64x64xbf16>, vector<64x64xbf16>, vector<64x64xf32> -> vector<64x64xf32>
    %slice3A_127 = vector.extract_strided_slice %slice3A_118 {offsets = [0, 128], sizes = [64, 64], strides = [1, 1]} : vector<64x512xbf16> to vector<64x64xbf16>
    %slice3A_128 = vector.extract_strided_slice %convert_element_type3A_6 {offsets = [64, 128], sizes = [64, 64], strides = [1, 1]} : vector<512x512xbf16> to vector<64x64xbf16>
    %dot_general3A_129 = arith.constant dense<0.000000e+00> : vector<64x64xf32>
    %dot_general3A_130 = tpu.matmul %slice3A_127, %slice3A_128, %dot_general3A_129 {dimension_numbers = #tpu.dot_dimension_numbers<[1], [0], [0], [1], [0, 0, 1, 1], [], []>, transpose_lhs_hint = false} : vector<64x64xbf16>, vector<64x64xbf16>, vector<64x64xf32> -> vector<64x64xf32>
    %slice3A_131 = vector.extract_strided_slice %slice3A_118 {offsets = [0, 192], sizes = [64, 64], strides = [1, 1]} : vector<64x512xbf16> to vector<64x64xbf16>
    %slice3A_132 = vector.extract_strided_slice %convert_element_type3A_6 {offsets = [64, 192], sizes = [64, 64], strides = [1, 1]} : vector<512x512xbf16> to vector<64x64xbf16>
    %dot_general3A_133 = arith.constant dense<0.000000e+00> : vector<64x64xf32>
    %dot_general3A_134 = tpu.matmul %slice3A_131, %slice3A_132, %dot_general3A_133 {dimension_numbers = #tpu.dot_dimension_numbers<[1], [0], [0], [1], [0, 0, 1, 1], [], []>, transpose_lhs_hint = false} : vector<64x64xbf16>, vector<64x64xbf16>, vector<64x64xf32> -> vector<64x64xf32>
    %slice3A_135 = vector.extract_strided_slice %slice3A_118 {offsets = [0, 256], sizes = [64, 64], strides = [1, 1]} : vector<64x512xbf16> to vector<64x64xbf16>
    %slice3A_136 = vector.extract_strided_slice %convert_element_type3A_6 {offsets = [64, 256], sizes = [64, 64], strides = [1, 1]} : vector<512x512xbf16> to vector<64x64xbf16>
    %dot_general3A_137 = arith.constant dense<0.000000e+00> : vector<64x64xf32>
    %dot_general3A_138 = tpu.matmul %slice3A_135, %slice3A_136, %dot_general3A_137 {dimension_numbers = #tpu.dot_dimension_numbers<[1], [0], [0], [1], [0, 0, 1, 1], [], []>, transpose_lhs_hint = false} : vector<64x64xbf16>, vector<64x64xbf16>, vector<64x64xf32> -> vector<64x64xf32>
    %slice3A_139 = vector.extract_strided_slice %slice3A_118 {offsets = [0, 320], sizes = [64, 64], strides = [1, 1]} : vector<64x512xbf16> to vector<64x64xbf16>
    %slice3A_140 = vector.extract_strided_slice %convert_element_type3A_6 {offsets = [64, 320], sizes = [64, 64], strides = [1, 1]} : vector<512x512xbf16> to vector<64x64xbf16>
    %dot_general3A_141 = arith.constant dense<0.000000e+00> : vector<64x64xf32>
    %dot_general3A_142 = tpu.matmul %slice3A_139, %slice3A_140, %dot_general3A_141 {dimension_numbers = #tpu.dot_dimension_numbers<[1], [0], [0], [1], [0, 0, 1, 1], [], []>, transpose_lhs_hint = false} : vector<64x64xbf16>, vector<64x64xbf16>, vector<64x64xf32> -> vector<64x64xf32>
    %slice3A_143 = vector.extract_strided_slice %slice3A_118 {offsets = [0, 384], sizes = [64, 64], strides = [1, 1]} : vector<64x512xbf16> to vector<64x64xbf16>
    %slice3A_144 = vector.extract_strided_slice %convert_element_type3A_6 {offsets = [64, 384], sizes = [64, 64], strides = [1, 1]} : vector<512x512xbf16> to vector<64x64xbf16>
    %dot_general3A_145 = arith.constant dense<0.000000e+00> : vector<64x64xf32>
    %dot_general3A_146 = tpu.matmul %slice3A_143, %slice3A_144, %dot_general3A_145 {dimension_numbers = #tpu.dot_dimension_numbers<[1], [0], [0], [1], [0, 0, 1, 1], [], []>, transpose_lhs_hint = false} : vector<64x64xbf16>, vector<64x64xbf16>, vector<64x64xf32> -> vector<64x64xf32>
    %slice3A_147 = vector.extract_strided_slice %slice3A_118 {offsets = [0, 448], sizes = [64, 64], strides = [1, 1]} : vector<64x512xbf16> to vector<64x64xbf16>
    %slice3A_148 = vector.extract_strided_slice %convert_element_type3A_6 {offsets = [64, 448], sizes = [64, 64], strides = [1, 1]} : vector<512x512xbf16> to vector<64x64xbf16>
    %dot_general3A_149 = arith.constant dense<0.000000e+00> : vector<64x64xf32>
    %dot_general3A_150 = tpu.matmul %slice3A_147, %slice3A_148, %dot_general3A_149 {dimension_numbers = #tpu.dot_dimension_numbers<[1], [0], [0], [1], [0, 0, 1, 1], [], []>, transpose_lhs_hint = false} : vector<64x64xbf16>, vector<64x64xbf16>, vector<64x64xf32> -> vector<64x64xf32>
    %concatenate3A_151 = tpu.concatenate %dot_general3A_122, %dot_general3A_126, %dot_general3A_130, %dot_general3A_134, %dot_general3A_138, %dot_general3A_142, %dot_general3A_146, %dot_general3A_150 in 1 : vector<64x64xf32>, vector<64x64xf32>, vector<64x64xf32>, vector<64x64xf32>, vector<64x64xf32>, vector<64x64xf32>, vector<64x64xf32>, vector<64x64xf32> -> vector<64x512xf32>
    %slice3A_152 = vector.extract_strided_slice %convert_element_type3A_73 {offsets = [128, 0], sizes = [64, 512], strides = [1, 1]} : vector<512x512xbf16> to vector<64x512xbf16>
    %slice3A_153 = vector.extract_strided_slice %slice3A_152 {offsets = [0, 0], sizes = [64, 64], strides = [1, 1]} : vector<64x512xbf16> to vector<64x64xbf16>
    %slice3A_154 = vector.extract_strided_slice %convert_element_type3A_6 {offsets = [128, 0], sizes = [64, 64], strides = [1, 1]} : vector<512x512xbf16> to vector<64x64xbf16>
    %dot_general3A_155 = arith.constant dense<0.000000e+00> : vector<64x64xf32>
    %dot_general3A_156 = tpu.matmul %slice3A_153, %slice3A_154, %dot_general3A_155 {dimension_numbers = #tpu.dot_dimension_numbers<[1], [0], [0], [1], [0, 0, 1, 1], [], []>, transpose_lhs_hint = false} : vector<64x64xbf16>, vector<64x64xbf16>, vector<64x64xf32> -> vector<64x64xf32>
    %slice3A_157 = vector.extract_strided_slice %slice3A_152 {offsets = [0, 64], sizes = [64, 64], strides = [1, 1]} : vector<64x512xbf16> to vector<64x64xbf16>
    %slice3A_158 = vector.extract_strided_slice %convert_element_type3A_6 {offsets = [128, 64], sizes = [64, 64], strides = [1, 1]} : vector<512x512xbf16> to vector<64x64xbf16>
    %dot_general3A_159 = arith.constant dense<0.000000e+00> : vector<64x64xf32>
    %dot_general3A_160 = tpu.matmul %slice3A_157, %slice3A_158, %dot_general3A_159 {dimension_numbers = #tpu.dot_dimension_numbers<[1], [0], [0], [1], [0, 0, 1, 1], [], []>, transpose_lhs_hint = false} : vector<64x64xbf16>, vector<64x64xbf16>, vector<64x64xf32> -> vector<64x64xf32>
    %slice3A_161 = vector.extract_strided_slice %slice3A_152 {offsets = [0, 128], sizes = [64, 64], strides = [1, 1]} : vector<64x512xbf16> to vector<64x64xbf16>
    %slice3A_162 = vector.extract_strided_slice %convert_element_type3A_6 {offsets = [128, 128], sizes = [64, 64], strides = [1, 1]} : vector<512x512xbf16> to vector<64x64xbf16>
    %dot_general3A_163 = arith.constant dense<0.000000e+00> : vector<64x64xf32>
    %dot_general3A_164 = tpu.matmul %slice3A_161, %slice3A_162, %dot_general3A_163 {dimension_numbers = #tpu.dot_dimension_numbers<[1], [0], [0], [1], [0, 0, 1, 1], [], []>, transpose_lhs_hint = false} : vector<64x64xbf16>, vector<64x64xbf16>, vector<64x64xf32> -> vector<64x64xf32>
    %slice3A_165 = vector.extract_strided_slice %slice3A_152 {offsets = [0, 192], sizes = [64, 64], strides = [1, 1]} : vector<64x512xbf16> to vector<64x64xbf16>
    %slice3A_166 = vector.extract_strided_slice %convert_element_type3A_6 {offsets = [128, 192], sizes = [64, 64], strides = [1, 1]} : vector<512x512xbf16> to vector<64x64xbf16>
    %dot_general3A_167 = arith.constant dense<0.000000e+00> : vector<64x64xf32>
    %dot_general3A_168 = tpu.matmul %slice3A_165, %slice3A_166, %dot_general3A_167 {dimension_numbers = #tpu.dot_dimension_numbers<[1], [0], [0], [1], [0, 0, 1, 1], [], []>, transpose_lhs_hint = false} : vector<64x64xbf16>, vector<64x64xbf16>, vector<64x64xf32> -> vector<64x64xf32>
    %slice3A_169 = vector.extract_strided_slice %slice3A_152 {offsets = [0, 256], sizes = [64, 64], strides = [1, 1]} : vector<64x512xbf16> to vector<64x64xbf16>
    %slice3A_170 = vector.extract_strided_slice %convert_element_type3A_6 {offsets = [128, 256], sizes = [64, 64], strides = [1, 1]} : vector<512x512xbf16> to vector<64x64xbf16>
    %dot_general3A_171 = arith.constant dense<0.000000e+00> : vector<64x64xf32>
    %dot_general3A_172 = tpu.matmul %slice3A_169, %slice3A_170, %dot_general3A_171 {dimension_numbers = #tpu.dot_dimension_numbers<[1], [0], [0], [1], [0, 0, 1, 1], [], []>, transpose_lhs_hint = false} : vector<64x64xbf16>, vector<64x64xbf16>, vector<64x64xf32> -> vector<64x64xf32>
    %slice3A_173 = vector.extract_strided_slice %slice3A_152 {offsets = [0, 320], sizes = [64, 64], strides = [1, 1]} : vector<64x512xbf16> to vector<64x64xbf16>
    %slice3A_174 = vector.extract_strided_slice %convert_element_type3A_6 {offsets = [128, 320], sizes = [64, 64], strides = [1, 1]} : vector<512x512xbf16> to vector<64x64xbf16>
    %dot_general3A_175 = arith.constant dense<0.000000e+00> : vector<64x64xf32>
    %dot_general3A_176 = tpu.matmul %slice3A_173, %slice3A_174, %dot_general3A_175 {dimension_numbers = #tpu.dot_dimension_numbers<[1], [0], [0], [1], [0, 0, 1, 1], [], []>, transpose_lhs_hint = false} : vector<64x64xbf16>, vector<64x64xbf16>, vector<64x64xf32> -> vector<64x64xf32>
    %slice3A_177 = vector.extract_strided_slice %slice3A_152 {offsets = [0, 384], sizes = [64, 64], strides = [1, 1]} : vector<64x512xbf16> to vector<64x64xbf16>
    %slice3A_178 = vector.extract_strided_slice %convert_element_type3A_6 {offsets = [128, 384], sizes = [64, 64], strides = [1, 1]} : vector<512x512xbf16> to vector<64x64xbf16>
    %dot_general3A_179 = arith.constant dense<0.000000e+00> : vector<64x64xf32>
    %dot_general3A_180 = tpu.matmul %slice3A_177, %slice3A_178, %dot_general3A_179 {dimension_numbers = #tpu.dot_dimension_numbers<[1], [0], [0], [1], [0, 0, 1, 1], [], []>, transpose_lhs_hint = false} : vector<64x64xbf16>, vector<64x64xbf16>, vector<64x64xf32> -> vector<64x64xf32>
    %slice3A_181 = vector.extract_strided_slice %slice3A_152 {offsets = [0, 448], sizes = [64, 64], strides = [1, 1]} : vector<64x512xbf16> to vector<64x64xbf16>
    %slice3A_182 = vector.extract_strided_slice %convert_element_type3A_6 {offsets = [128, 448], sizes = [64, 64], strides = [1, 1]} : vector<512x512xbf16> to vector<64x64xbf16>
    %dot_general3A_183 = arith.constant dense<0.000000e+00> : vector<64x64xf32>
    %dot_general3A_184 = tpu.matmul %slice3A_181, %slice3A_182, %dot_general3A_183 {dimension_numbers = #tpu.dot_dimension_numbers<[1], [0], [0], [1], [0, 0, 1, 1], [], []>, transpose_lhs_hint = false} : vector<64x64xbf16>, vector<64x64xbf16>, vector<64x64xf32> -> vector<64x64xf32>
    %concatenate3A_185 = tpu.concatenate %dot_general3A_156, %dot_general3A_160, %dot_general3A_164, %dot_general3A_168, %dot_general3A_172, %dot_general3A_176, %dot_general3A_180, %dot_general3A_184 in 1 : vector<64x64xf32>, vector<64x64xf32>, vector<64x64xf32>, vector<64x64xf32>, vector<64x64xf32>, vector<64x64xf32>, vector<64x64xf32>, vector<64x64xf32> -> vector<64x512xf32>
    %slice3A_186 = vector.extract_strided_slice %convert_element_type3A_73 {offsets = [192, 0], sizes = [64, 512], strides = [1, 1]} : vector<512x512xbf16> to vector<64x512xbf16>
    %slice3A_187 = vector.extract_strided_slice %slice3A_186 {offsets = [0, 0], sizes = [64, 64], strides = [1, 1]} : vector<64x512xbf16> to vector<64x64xbf16>
    %slice3A_188 = vector.extract_strided_slice %convert_element_type3A_6 {offsets = [192, 0], sizes = [64, 64], strides = [1, 1]} : vector<512x512xbf16> to vector<64x64xbf16>
    %dot_general3A_189 = arith.constant dense<0.000000e+00> : vector<64x64xf32>
    %dot_general3A_190 = tpu.matmul %slice3A_187, %slice3A_188, %dot_general3A_189 {dimension_numbers = #tpu.dot_dimension_numbers<[1], [0], [0], [1], [0, 0, 1, 1], [], []>, transpose_lhs_hint = false} : vector<64x64xbf16>, vector<64x64xbf16>, vector<64x64xf32> -> vector<64x64xf32>
    %slice3A_191 = vector.extract_strided_slice %slice3A_186 {offsets = [0, 64], sizes = [64, 64], strides = [1, 1]} : vector<64x512xbf16> to vector<64x64xbf16>
    %slice3A_192 = vector.extract_strided_slice %convert_element_type3A_6 {offsets = [192, 64], sizes = [64, 64], strides = [1, 1]} : vector<512x512xbf16> to vector<64x64xbf16>
    %dot_general3A_193 = arith.constant dense<0.000000e+00> : vector<64x64xf32>
    %dot_general3A_194 = tpu.matmul %slice3A_191, %slice3A_192, %dot_general3A_193 {dimension_numbers = #tpu.dot_dimension_numbers<[1], [0], [0], [1], [0, 0, 1, 1], [], []>, transpose_lhs_hint = false} : vector<64x64xbf16>, vector<64x64xbf16>, vector<64x64xf32> -> vector<64x64xf32>
    %slice3A_195 = vector.extract_strided_slice %slice3A_186 {offsets = [0, 128], sizes = [64, 64], strides = [1, 1]} : vector<64x512xbf16> to vector<64x64xbf16>
    %slice3A_196 = vector.extract_strided_slice %convert_element_type3A_6 {offsets = [192, 128], sizes = [64, 64], strides = [1, 1]} : vector<512x512xbf16> to vector<64x64xbf16>
    %dot_general3A_197 = arith.constant dense<0.000000e+00> : vector<64x64xf32>
    %dot_general3A_198 = tpu.matmul %slice3A_195, %slice3A_196, %dot_general3A_197 {dimension_numbers = #tpu.dot_dimension_numbers<[1], [0], [0], [1], [0, 0, 1, 1], [], []>, transpose_lhs_hint = false} : vector<64x64xbf16>, vector<64x64xbf16>, vector<64x64xf32> -> vector<64x64xf32>
    %slice3A_199 = vector.extract_strided_slice %slice3A_186 {offsets = [0, 192], sizes = [64, 64], strides = [1, 1]} : vector<64x512xbf16> to vector<64x64xbf16>
    %slice3A_200 = vector.extract_strided_slice %convert_element_type3A_6 {offsets = [192, 192], sizes = [64, 64], strides = [1, 1]} : vector<512x512xbf16> to vector<64x64xbf16>
    %dot_general3A_201 = arith.constant dense<0.000000e+00> : vector<64x64xf32>
    %dot_general3A_202 = tpu.matmul %slice3A_199, %slice3A_200, %dot_general3A_201 {dimension_numbers = #tpu.dot_dimension_numbers<[1], [0], [0], [1], [0, 0, 1, 1], [], []>, transpose_lhs_hint = false} : vector<64x64xbf16>, vector<64x64xbf16>, vector<64x64xf32> -> vector<64x64xf32>
    %slice3A_203 = vector.extract_strided_slice %slice3A_186 {offsets = [0, 256], sizes = [64, 64], strides = [1, 1]} : vector<64x512xbf16> to vector<64x64xbf16>
    %slice3A_204 = vector.extract_strided_slice %convert_element_type3A_6 {offsets = [192, 256], sizes = [64, 64], strides = [1, 1]} : vector<512x512xbf16> to vector<64x64xbf16>
    %dot_general3A_205 = arith.constant dense<0.000000e+00> : vector<64x64xf32>
    %dot_general3A_206 = tpu.matmul %slice3A_203, %slice3A_204, %dot_general3A_205 {dimension_numbers = #tpu.dot_dimension_numbers<[1], [0], [0], [1], [0, 0, 1, 1], [], []>, transpose_lhs_hint = false} : vector<64x64xbf16>, vector<64x64xbf16>, vector<64x64xf32> -> vector<64x64xf32>
    %slice3A_207 = vector.extract_strided_slice %slice3A_186 {offsets = [0, 320], sizes = [64, 64], strides = [1, 1]} : vector<64x512xbf16> to vector<64x64xbf16>
    %slice3A_208 = vector.extract_strided_slice %convert_element_type3A_6 {offsets = [192, 320], sizes = [64, 64], strides = [1, 1]} : vector<512x512xbf16> to vector<64x64xbf16>
    %dot_general3A_209 = arith.constant dense<0.000000e+00> : vector<64x64xf32>
    %dot_general3A_210 = tpu.matmul %slice3A_207, %slice3A_208, %dot_general3A_209 {dimension_numbers = #tpu.dot_dimension_numbers<[1], [0], [0], [1], [0, 0, 1, 1], [], []>, transpose_lhs_hint = false} : vector<64x64xbf16>, vector<64x64xbf16>, vector<64x64xf32> -> vector<64x64xf32>
    %slice3A_211 = vector.extract_strided_slice %slice3A_186 {offsets = [0, 384], sizes = [64, 64], strides = [1, 1]} : vector<64x512xbf16> to vector<64x64xbf16>
    %slice3A_212 = vector.extract_strided_slice %convert_element_type3A_6 {offsets = [192, 384], sizes = [64, 64], strides = [1, 1]} : vector<512x512xbf16> to vector<64x64xbf16>
    %dot_general3A_213 = arith.constant dense<0.000000e+00> : vector<64x64xf32>
    %dot_general3A_214 = tpu.matmul %slice3A_211, %slice3A_212, %dot_general3A_213 {dimension_numbers = #tpu.dot_dimension_numbers<[1], [0], [0], [1], [0, 0, 1, 1], [], []>, transpose_lhs_hint = false} : vector<64x64xbf16>, vector<64x64xbf16>, vector<64x64xf32> -> vector<64x64xf32>
    %slice3A_215 = vector.extract_strided_slice %slice3A_186 {offsets = [0, 448], sizes = [64, 64], strides = [1, 1]} : vector<64x512xbf16> to vector<64x64xbf16>
    %slice3A_216 = vector.extract_strided_slice %convert_element_type3A_6 {offsets = [192, 448], sizes = [64, 64], strides = [1, 1]} : vector<512x512xbf16> to vector<64x64xbf16>
    %dot_general3A_217 = arith.constant dense<0.000000e+00> : vector<64x64xf32>
    %dot_general3A_218 = tpu.matmul %slice3A_215, %slice3A_216, %dot_general3A_217 {dimension_numbers = #tpu.dot_dimension_numbers<[1], [0], [0], [1], [0, 0, 1, 1], [], []>, transpose_lhs_hint = false} : vector<64x64xbf16>, vector<64x64xbf16>, vector<64x64xf32> -> vector<64x64xf32>
    %concatenate3A_219 = tpu.concatenate %dot_general3A_190, %dot_general3A_194, %dot_general3A_198, %dot_general3A_202, %dot_general3A_206, %dot_general3A_210, %dot_general3A_214, %dot_general3A_218 in 1 : vector<64x64xf32>, vector<64x64xf32>, vector<64x64xf32>, vector<64x64xf32>, vector<64x64xf32>, vector<64x64xf32>, vector<64x64xf32>, vector<64x64xf32> -> vector<64x512xf32>
    %slice3A_220 = vector.extract_strided_slice %convert_element_type3A_73 {offsets = [256, 0], sizes = [64, 512], strides = [1, 1]} : vector<512x512xbf16> to vector<64x512xbf16>
    %slice3A_221 = vector.extract_strided_slice %slice3A_220 {offsets = [0, 0], sizes = [64, 64], strides = [1, 1]} : vector<64x512xbf16> to vector<64x64xbf16>
    %slice3A_222 = vector.extract_strided_slice %convert_element_type3A_6 {offsets = [256, 0], sizes = [64, 64], strides = [1, 1]} : vector<512x512xbf16> to vector<64x64xbf16>
    %dot_general3A_223 = arith.constant dense<0.000000e+00> : vector<64x64xf32>
    %dot_general3A_224 = tpu.matmul %slice3A_221, %slice3A_222, %dot_general3A_223 {dimension_numbers = #tpu.dot_dimension_numbers<[1], [0], [0], [1], [0, 0, 1, 1], [], []>, transpose_lhs_hint = false} : vector<64x64xbf16>, vector<64x64xbf16>, vector<64x64xf32> -> vector<64x64xf32>
    %slice3A_225 = vector.extract_strided_slice %slice3A_220 {offsets = [0, 64], sizes = [64, 64], strides = [1, 1]} : vector<64x512xbf16> to vector<64x64xbf16>
    %slice3A_226 = vector.extract_strided_slice %convert_element_type3A_6 {offsets = [256, 64], sizes = [64, 64], strides = [1, 1]} : vector<512x512xbf16> to vector<64x64xbf16>
    %dot_general3A_227 = arith.constant dense<0.000000e+00> : vector<64x64xf32>
    %dot_general3A_228 = tpu.matmul %slice3A_225, %slice3A_226, %dot_general3A_227 {dimension_numbers = #tpu.dot_dimension_numbers<[1], [0], [0], [1], [0, 0, 1, 1], [], []>, transpose_lhs_hint = false} : vector<64x64xbf16>, vector<64x64xbf16>, vector<64x64xf32> -> vector<64x64xf32>
    %slice3A_229 = vector.extract_strided_slice %slice3A_220 {offsets = [0, 128], sizes = [64, 64], strides = [1, 1]} : vector<64x512xbf16> to vector<64x64xbf16>
    %slice3A_230 = vector.extract_strided_slice %convert_element_type3A_6 {offsets = [256, 128], sizes = [64, 64], strides = [1, 1]} : vector<512x512xbf16> to vector<64x64xbf16>
    %dot_general3A_231 = arith.constant dense<0.000000e+00> : vector<64x64xf32>
    %dot_general3A_232 = tpu.matmul %slice3A_229, %slice3A_230, %dot_general3A_231 {dimension_numbers = #tpu.dot_dimension_numbers<[1], [0], [0], [1], [0, 0, 1, 1], [], []>, transpose_lhs_hint = false} : vector<64x64xbf16>, vector<64x64xbf16>, vector<64x64xf32> -> vector<64x64xf32>
    %slice3A_233 = vector.extract_strided_slice %slice3A_220 {offsets = [0, 192], sizes = [64, 64], strides = [1, 1]} : vector<64x512xbf16> to vector<64x64xbf16>
    %slice3A_234 = vector.extract_strided_slice %convert_element_type3A_6 {offsets = [256, 192], sizes = [64, 64], strides = [1, 1]} : vector<512x512xbf16> to vector<64x64xbf16>
    %dot_general3A_235 = arith.constant dense<0.000000e+00> : vector<64x64xf32>
    %dot_general3A_236 = tpu.matmul %slice3A_233, %slice3A_234, %dot_general3A_235 {dimension_numbers = #tpu.dot_dimension_numbers<[1], [0], [0], [1], [0, 0, 1, 1], [], []>, transpose_lhs_hint = false} : vector<64x64xbf16>, vector<64x64xbf16>, vector<64x64xf32> -> vector<64x64xf32>
    %slice3A_237 = vector.extract_strided_slice %slice3A_220 {offsets = [0, 256], sizes = [64, 64], strides = [1, 1]} : vector<64x512xbf16> to vector<64x64xbf16>
    %slice3A_238 = vector.extract_strided_slice %convert_element_type3A_6 {offsets = [256, 256], sizes = [64, 64], strides = [1, 1]} : vector<512x512xbf16> to vector<64x64xbf16>
    %dot_general3A_239 = arith.constant dense<0.000000e+00> : vector<64x64xf32>
    %dot_general3A_240 = tpu.matmul %slice3A_237, %slice3A_238, %dot_general3A_239 {dimension_numbers = #tpu.dot_dimension_numbers<[1], [0], [0], [1], [0, 0, 1, 1], [], []>, transpose_lhs_hint = false} : vector<64x64xbf16>, vector<64x64xbf16>, vector<64x64xf32> -> vector<64x64xf32>
    %slice3A_241 = vector.extract_strided_slice %slice3A_220 {offsets = [0, 320], sizes = [64, 64], strides = [1, 1]} : vector<64x512xbf16> to vector<64x64xbf16>
    %slice3A_242 = vector.extract_strided_slice %convert_element_type3A_6 {offsets = [256, 320], sizes = [64, 64], strides = [1, 1]} : vector<512x512xbf16> to vector<64x64xbf16>
    %dot_general3A_243 = arith.constant dense<0.000000e+00> : vector<64x64xf32>
    %dot_general3A_244 = tpu.matmul %slice3A_241, %slice3A_242, %dot_general3A_243 {dimension_numbers = #tpu.dot_dimension_numbers<[1], [0], [0], [1], [0, 0, 1, 1], [], []>, transpose_lhs_hint = false} : vector<64x64xbf16>, vector<64x64xbf16>, vector<64x64xf32> -> vector<64x64xf32>
    %slice3A_245 = vector.extract_strided_slice %slice3A_220 {offsets = [0, 384], sizes = [64, 64], strides = [1, 1]} : vector<64x512xbf16> to vector<64x64xbf16>
    %slice3A_246 = vector.extract_strided_slice %convert_element_type3A_6 {offsets = [256, 384], sizes = [64, 64], strides = [1, 1]} : vector<512x512xbf16> to vector<64x64xbf16>
    %dot_general3A_247 = arith.constant dense<0.000000e+00> : vector<64x64xf32>
    %dot_general3A_248 = tpu.matmul %slice3A_245, %slice3A_246, %dot_general3A_247 {dimension_numbers = #tpu.dot_dimension_numbers<[1], [0], [0], [1], [0, 0, 1, 1], [], []>, transpose_lhs_hint = false} : vector<64x64xbf16>, vector<64x64xbf16>, vector<64x64xf32> -> vector<64x64xf32>
    %slice3A_249 = vector.extract_strided_slice %slice3A_220 {offsets = [0, 448], sizes = [64, 64], strides = [1, 1]} : vector<64x512xbf16> to vector<64x64xbf16>
    %slice3A_250 = vector.extract_strided_slice %convert_element_type3A_6 {offsets = [256, 448], sizes = [64, 64], strides = [1, 1]} : vector<512x512xbf16> to vector<64x64xbf16>
    %dot_general3A_251 = arith.constant dense<0.000000e+00> : vector<64x64xf32>
    %dot_general3A_252 = tpu.matmul %slice3A_249, %slice3A_250, %dot_general3A_251 {dimension_numbers = #tpu.dot_dimension_numbers<[1], [0], [0], [1], [0, 0, 1, 1], [], []>, transpose_lhs_hint = false} : vector<64x64xbf16>, vector<64x64xbf16>, vector<64x64xf32> -> vector<64x64xf32>
    %concatenate3A_253 = tpu.concatenate %dot_general3A_224, %dot_general3A_228, %dot_general3A_232, %dot_general3A_236, %dot_general3A_240, %dot_general3A_244, %dot_general3A_248, %dot_general3A_252 in 1 : vector<64x64xf32>, vector<64x64xf32>, vector<64x64xf32>, vector<64x64xf32>, vector<64x64xf32>, vector<64x64xf32>, vector<64x64xf32>, vector<64x64xf32> -> vector<64x512xf32>
    %slice3A_254 = vector.extract_strided_slice %convert_element_type3A_73 {offsets = [320, 0], sizes = [64, 512], strides = [1, 1]} : vector<512x512xbf16> to vector<64x512xbf16>
    %slice3A_255 = vector.extract_strided_slice %slice3A_254 {offsets = [0, 0], sizes = [64, 64], strides = [1, 1]} : vector<64x512xbf16> to vector<64x64xbf16>
    %slice3A_256 = vector.extract_strided_slice %convert_element_type3A_6 {offsets = [320, 0], sizes = [64, 64], strides = [1, 1]} : vector<512x512xbf16> to vector<64x64xbf16>
    %dot_general3A_257 = arith.constant dense<0.000000e+00> : vector<64x64xf32>
    %dot_general3A_258 = tpu.matmul %slice3A_255, %slice3A_256, %dot_general3A_257 {dimension_numbers = #tpu.dot_dimension_numbers<[1], [0], [0], [1], [0, 0, 1, 1], [], []>, transpose_lhs_hint = false} : vector<64x64xbf16>, vector<64x64xbf16>, vector<64x64xf32> -> vector<64x64xf32>
    %slice3A_259 = vector.extract_strided_slice %slice3A_254 {offsets = [0, 64], sizes = [64, 64], strides = [1, 1]} : vector<64x512xbf16> to vector<64x64xbf16>
    %slice3A_260 = vector.extract_strided_slice %convert_element_type3A_6 {offsets = [320, 64], sizes = [64, 64], strides = [1, 1]} : vector<512x512xbf16> to vector<64x64xbf16>
    %dot_general3A_261 = arith.constant dense<0.000000e+00> : vector<64x64xf32>
    %dot_general3A_262 = tpu.matmul %slice3A_259, %slice3A_260, %dot_general3A_261 {dimension_numbers = #tpu.dot_dimension_numbers<[1], [0], [0], [1], [0, 0, 1, 1], [], []>, transpose_lhs_hint = false} : vector<64x64xbf16>, vector<64x64xbf16>, vector<64x64xf32> -> vector<64x64xf32>
    %slice3A_263 = vector.extract_strided_slice %slice3A_254 {offsets = [0, 128], sizes = [64, 64], strides = [1, 1]} : vector<64x512xbf16> to vector<64x64xbf16>
    %slice3A_264 = vector.extract_strided_slice %convert_element_type3A_6 {offsets = [320, 128], sizes = [64, 64], strides = [1, 1]} : vector<512x512xbf16> to vector<64x64xbf16>
    %dot_general3A_265 = arith.constant dense<0.000000e+00> : vector<64x64xf32>
    %dot_general3A_266 = tpu.matmul %slice3A_263, %slice3A_264, %dot_general3A_265 {dimension_numbers = #tpu.dot_dimension_numbers<[1], [0], [0], [1], [0, 0, 1, 1], [], []>, transpose_lhs_hint = false} : vector<64x64xbf16>, vector<64x64xbf16>, vector<64x64xf32> -> vector<64x64xf32>
    %slice3A_267 = vector.extract_strided_slice %slice3A_254 {offsets = [0, 192], sizes = [64, 64], strides = [1, 1]} : vector<64x512xbf16> to vector<64x64xbf16>
    %slice3A_268 = vector.extract_strided_slice %convert_element_type3A_6 {offsets = [320, 192], sizes = [64, 64], strides = [1, 1]} : vector<512x512xbf16> to vector<64x64xbf16>
    %dot_general3A_269 = arith.constant dense<0.000000e+00> : vector<64x64xf32>
    %dot_general3A_270 = tpu.matmul %slice3A_267, %slice3A_268, %dot_general3A_269 {dimension_numbers = #tpu.dot_dimension_numbers<[1], [0], [0], [1], [0, 0, 1, 1], [], []>, transpose_lhs_hint = false} : vector<64x64xbf16>, vector<64x64xbf16>, vector<64x64xf32> -> vector<64x64xf32>
    %slice3A_271 = vector.extract_strided_slice %slice3A_254 {offsets = [0, 256], sizes = [64, 64], strides = [1, 1]} : vector<64x512xbf16> to vector<64x64xbf16>
    %slice3A_272 = vector.extract_strided_slice %convert_element_type3A_6 {offsets = [320, 256], sizes = [64, 64], strides = [1, 1]} : vector<512x512xbf16> to vector<64x64xbf16>
    %dot_general3A_273 = arith.constant dense<0.000000e+00> : vector<64x64xf32>
    %dot_general3A_274 = tpu.matmul %slice3A_271, %slice3A_272, %dot_general3A_273 {dimension_numbers = #tpu.dot_dimension_numbers<[1], [0], [0], [1], [0, 0, 1, 1], [], []>, transpose_lhs_hint = false} : vector<64x64xbf16>, vector<64x64xbf16>, vector<64x64xf32> -> vector<64x64xf32>
    %slice3A_275 = vector.extract_strided_slice %slice3A_254 {offsets = [0, 320], sizes = [64, 64], strides = [1, 1]} : vector<64x512xbf16> to vector<64x64xbf16>
    %slice3A_276 = vector.extract_strided_slice %convert_element_type3A_6 {offsets = [320, 320], sizes = [64, 64], strides = [1, 1]} : vector<512x512xbf16> to vector<64x64xbf16>
    %dot_general3A_277 = arith.constant dense<0.000000e+00> : vector<64x64xf32>
    %dot_general3A_278 = tpu.matmul %slice3A_275, %slice3A_276, %dot_general3A_277 {dimension_numbers = #tpu.dot_dimension_numbers<[1], [0], [0], [1], [0, 0, 1, 1], [], []>, transpose_lhs_hint = false} : vector<64x64xbf16>, vector<64x64xbf16>, vector<64x64xf32> -> vector<64x64xf32>
    %slice3A_279 = vector.extract_strided_slice %slice3A_254 {offsets = [0, 384], sizes = [64, 64], strides = [1, 1]} : vector<64x512xbf16> to vector<64x64xbf16>
    %slice3A_280 = vector.extract_strided_slice %convert_element_type3A_6 {offsets = [320, 384], sizes = [64, 64], strides = [1, 1]} : vector<512x512xbf16> to vector<64x64xbf16>
    %dot_general3A_281 = arith.constant dense<0.000000e+00> : vector<64x64xf32>
    %dot_general3A_282 = tpu.matmul %slice3A_279, %slice3A_280, %dot_general3A_281 {dimension_numbers = #tpu.dot_dimension_numbers<[1], [0], [0], [1], [0, 0, 1, 1], [], []>, transpose_lhs_hint = false} : vector<64x64xbf16>, vector<64x64xbf16>, vector<64x64xf32> -> vector<64x64xf32>
    %slice3A_283 = vector.extract_strided_slice %slice3A_254 {offsets = [0, 448], sizes = [64, 64], strides = [1, 1]} : vector<64x512xbf16> to vector<64x64xbf16>
    %slice3A_284 = vector.extract_strided_slice %convert_element_type3A_6 {offsets = [320, 448], sizes = [64, 64], strides = [1, 1]} : vector<512x512xbf16> to vector<64x64xbf16>
    %dot_general3A_285 = arith.constant dense<0.000000e+00> : vector<64x64xf32>
    %dot_general3A_286 = tpu.matmul %slice3A_283, %slice3A_284, %dot_general3A_285 {dimension_numbers = #tpu.dot_dimension_numbers<[1], [0], [0], [1], [0, 0, 1, 1], [], []>, transpose_lhs_hint = false} : vector<64x64xbf16>, vector<64x64xbf16>, vector<64x64xf32> -> vector<64x64xf32>
    %concatenate3A_287 = tpu.concatenate %dot_general3A_258, %dot_general3A_262, %dot_general3A_266, %dot_general3A_270, %dot_general3A_274, %dot_general3A_278, %dot_general3A_282, %dot_general3A_286 in 1 : vector<64x64xf32>, vector<64x64xf32>, vector<64x64xf32>, vector<64x64xf32>, vector<64x64xf32>, vector<64x64xf32>, vector<64x64xf32>, vector<64x64xf32> -> vector<64x512xf32>
    %slice3A_288 = vector.extract_strided_slice %convert_element_type3A_73 {offsets = [384, 0], sizes = [64, 512], strides = [1, 1]} : vector<512x512xbf16> to vector<64x512xbf16>
    %slice3A_289 = vector.extract_strided_slice %slice3A_288 {offsets = [0, 0], sizes = [64, 64], strides = [1, 1]} : vector<64x512xbf16> to vector<64x64xbf16>
    %slice3A_290 = vector.extract_strided_slice %convert_element_type3A_6 {offsets = [384, 0], sizes = [64, 64], strides = [1, 1]} : vector<512x512xbf16> to vector<64x64xbf16>
    %dot_general3A_291 = arith.constant dense<0.000000e+00> : vector<64x64xf32>
    %dot_general3A_292 = tpu.matmul %slice3A_289, %slice3A_290, %dot_general3A_291 {dimension_numbers = #tpu.dot_dimension_numbers<[1], [0], [0], [1], [0, 0, 1, 1], [], []>, transpose_lhs_hint = false} : vector<64x64xbf16>, vector<64x64xbf16>, vector<64x64xf32> -> vector<64x64xf32>
    %slice3A_293 = vector.extract_strided_slice %slice3A_288 {offsets = [0, 64], sizes = [64, 64], strides = [1, 1]} : vector<64x512xbf16> to vector<64x64xbf16>
    %slice3A_294 = vector.extract_strided_slice %convert_element_type3A_6 {offsets = [384, 64], sizes = [64, 64], strides = [1, 1]} : vector<512x512xbf16> to vector<64x64xbf16>
    %dot_general3A_295 = arith.constant dense<0.000000e+00> : vector<64x64xf32>
    %dot_general3A_296 = tpu.matmul %slice3A_293, %slice3A_294, %dot_general3A_295 {dimension_numbers = #tpu.dot_dimension_numbers<[1], [0], [0], [1], [0, 0, 1, 1], [], []>, transpose_lhs_hint = false} : vector<64x64xbf16>, vector<64x64xbf16>, vector<64x64xf32> -> vector<64x64xf32>
    %slice3A_297 = vector.extract_strided_slice %slice3A_288 {offsets = [0, 128], sizes = [64, 64], strides = [1, 1]} : vector<64x512xbf16> to vector<64x64xbf16>
    %slice3A_298 = vector.extract_strided_slice %convert_element_type3A_6 {offsets = [384, 128], sizes = [64, 64], strides = [1, 1]} : vector<512x512xbf16> to vector<64x64xbf16>
    %dot_general3A_299 = arith.constant dense<0.000000e+00> : vector<64x64xf32>
    %dot_general3A_300 = tpu.matmul %slice3A_297, %slice3A_298, %dot_general3A_299 {dimension_numbers = #tpu.dot_dimension_numbers<[1], [0], [0], [1], [0, 0, 1, 1], [], []>, transpose_lhs_hint = false} : vector<64x64xbf16>, vector<64x64xbf16>, vector<64x64xf32> -> vector<64x64xf32>
    %slice3A_301 = vector.extract_strided_slice %slice3A_288 {offsets = [0, 192], sizes = [64, 64], strides = [1, 1]} : vector<64x512xbf16> to vector<64x64xbf16>
    %slice3A_302 = vector.extract_strided_slice %convert_element_type3A_6 {offsets = [384, 192], sizes = [64, 64], strides = [1, 1]} : vector<512x512xbf16> to vector<64x64xbf16>
    %dot_general3A_303 = arith.constant dense<0.000000e+00> : vector<64x64xf32>
    %dot_general3A_304 = tpu.matmul %slice3A_301, %slice3A_302, %dot_general3A_303 {dimension_numbers = #tpu.dot_dimension_numbers<[1], [0], [0], [1], [0, 0, 1, 1], [], []>, transpose_lhs_hint = false} : vector<64x64xbf16>, vector<64x64xbf16>, vector<64x64xf32> -> vector<64x64xf32>
    %slice3A_305 = vector.extract_strided_slice %slice3A_288 {offsets = [0, 256], sizes = [64, 64], strides = [1, 1]} : vector<64x512xbf16> to vector<64x64xbf16>
    %slice3A_306 = vector.extract_strided_slice %convert_element_type3A_6 {offsets = [384, 256], sizes = [64, 64], strides = [1, 1]} : vector<512x512xbf16> to vector<64x64xbf16>
    %dot_general3A_307 = arith.constant dense<0.000000e+00> : vector<64x64xf32>
    %dot_general3A_308 = tpu.matmul %slice3A_305, %slice3A_306, %dot_general3A_307 {dimension_numbers = #tpu.dot_dimension_numbers<[1], [0], [0], [1], [0, 0, 1, 1], [], []>, transpose_lhs_hint = false} : vector<64x64xbf16>, vector<64x64xbf16>, vector<64x64xf32> -> vector<64x64xf32>
    %slice3A_309 = vector.extract_strided_slice %slice3A_288 {offsets = [0, 320], sizes = [64, 64], strides = [1, 1]} : vector<64x512xbf16> to vector<64x64xbf16>
    %slice3A_310 = vector.extract_strided_slice %convert_element_type3A_6 {offsets = [384, 320], sizes = [64, 64], strides = [1, 1]} : vector<512x512xbf16> to vector<64x64xbf16>
    %dot_general3A_311 = arith.constant dense<0.000000e+00> : vector<64x64xf32>
    %dot_general3A_312 = tpu.matmul %slice3A_309, %slice3A_310, %dot_general3A_311 {dimension_numbers = #tpu.dot_dimension_numbers<[1], [0], [0], [1], [0, 0, 1, 1], [], []>, transpose_lhs_hint = false} : vector<64x64xbf16>, vector<64x64xbf16>, vector<64x64xf32> -> vector<64x64xf32>
    %slice3A_313 = vector.extract_strided_slice %slice3A_288 {offsets = [0, 384], sizes = [64, 64], strides = [1, 1]} : vector<64x512xbf16> to vector<64x64xbf16>
    %slice3A_314 = vector.extract_strided_slice %convert_element_type3A_6 {offsets = [384, 384], sizes = [64, 64], strides = [1, 1]} : vector<512x512xbf16> to vector<64x64xbf16>
    %dot_general3A_315 = arith.constant dense<0.000000e+00> : vector<64x64xf32>
    %dot_general3A_316 = tpu.matmul %slice3A_313, %slice3A_314, %dot_general3A_315 {dimension_numbers = #tpu.dot_dimension_numbers<[1], [0], [0], [1], [0, 0, 1, 1], [], []>, transpose_lhs_hint = false} : vector<64x64xbf16>, vector<64x64xbf16>, vector<64x64xf32> -> vector<64x64xf32>
    %slice3A_317 = vector.extract_strided_slice %slice3A_288 {offsets = [0, 448], sizes = [64, 64], strides = [1, 1]} : vector<64x512xbf16> to vector<64x64xbf16>
    %slice3A_318 = vector.extract_strided_slice %convert_element_type3A_6 {offsets = [384, 448], sizes = [64, 64], strides = [1, 1]} : vector<512x512xbf16> to vector<64x64xbf16>
    %dot_general3A_319 = arith.constant dense<0.000000e+00> : vector<64x64xf32>
    %dot_general3A_320 = tpu.matmul %slice3A_317, %slice3A_318, %dot_general3A_319 {dimension_numbers = #tpu.dot_dimension_numbers<[1], [0], [0], [1], [0, 0, 1, 1], [], []>, transpose_lhs_hint = false} : vector<64x64xbf16>, vector<64x64xbf16>, vector<64x64xf32> -> vector<64x64xf32>
    %concatenate3A_321 = tpu.concatenate %dot_general3A_292, %dot_general3A_296, %dot_general3A_300, %dot_general3A_304, %dot_general3A_308, %dot_general3A_312, %dot_general3A_316, %dot_general3A_320 in 1 : vector<64x64xf32>, vector<64x64xf32>, vector<64x64xf32>, vector<64x64xf32>, vector<64x64xf32>, vector<64x64xf32>, vector<64x64xf32>, vector<64x64xf32> -> vector<64x512xf32>
    %slice3A_322 = vector.extract_strided_slice %convert_element_type3A_73 {offsets = [448, 0], sizes = [64, 512], strides = [1, 1]} : vector<512x512xbf16> to vector<64x512xbf16>
    %slice3A_323 = vector.extract_strided_slice %slice3A_322 {offsets = [0, 0], sizes = [64, 64], strides = [1, 1]} : vector<64x512xbf16> to vector<64x64xbf16>
    %slice3A_324 = vector.extract_strided_slice %convert_element_type3A_6 {offsets = [448, 0], sizes = [64, 64], strides = [1, 1]} : vector<512x512xbf16> to vector<64x64xbf16>
    %dot_general3A_325 = arith.constant dense<0.000000e+00> : vector<64x64xf32>
    %dot_general3A_326 = tpu.matmul %slice3A_323, %slice3A_324, %dot_general3A_325 {dimension_numbers = #tpu.dot_dimension_numbers<[1], [0], [0], [1], [0, 0, 1, 1], [], []>, transpose_lhs_hint = false} : vector<64x64xbf16>, vector<64x64xbf16>, vector<64x64xf32> -> vector<64x64xf32>
    %slice3A_327 = vector.extract_strided_slice %slice3A_322 {offsets = [0, 64], sizes = [64, 64], strides = [1, 1]} : vector<64x512xbf16> to vector<64x64xbf16>
    %slice3A_328 = vector.extract_strided_slice %convert_element_type3A_6 {offsets = [448, 64], sizes = [64, 64], strides = [1, 1]} : vector<512x512xbf16> to vector<64x64xbf16>
    %dot_general3A_329 = arith.constant dense<0.000000e+00> : vector<64x64xf32>
    %dot_general3A_330 = tpu.matmul %slice3A_327, %slice3A_328, %dot_general3A_329 {dimension_numbers = #tpu.dot_dimension_numbers<[1], [0], [0], [1], [0, 0, 1, 1], [], []>, transpose_lhs_hint = false} : vector<64x64xbf16>, vector<64x64xbf16>, vector<64x64xf32> -> vector<64x64xf32>
    %slice3A_331 = vector.extract_strided_slice %slice3A_322 {offsets = [0, 128], sizes = [64, 64], strides = [1, 1]} : vector<64x512xbf16> to vector<64x64xbf16>
    %slice3A_332 = vector.extract_strided_slice %convert_element_type3A_6 {offsets = [448, 128], sizes = [64, 64], strides = [1, 1]} : vector<512x512xbf16> to vector<64x64xbf16>
    %dot_general3A_333 = arith.constant dense<0.000000e+00> : vector<64x64xf32>
    %dot_general3A_334 = tpu.matmul %slice3A_331, %slice3A_332, %dot_general3A_333 {dimension_numbers = #tpu.dot_dimension_numbers<[1], [0], [0], [1], [0, 0, 1, 1], [], []>, transpose_lhs_hint = false} : vector<64x64xbf16>, vector<64x64xbf16>, vector<64x64xf32> -> vector<64x64xf32>
    %slice3A_335 = vector.extract_strided_slice %slice3A_322 {offsets = [0, 192], sizes = [64, 64], strides = [1, 1]} : vector<64x512xbf16> to vector<64x64xbf16>
    %slice3A_336 = vector.extract_strided_slice %convert_element_type3A_6 {offsets = [448, 192], sizes = [64, 64], strides = [1, 1]} : vector<512x512xbf16> to vector<64x64xbf16>
    %dot_general3A_337 = arith.constant dense<0.000000e+00> : vector<64x64xf32>
    %dot_general3A_338 = tpu.matmul %slice3A_335, %slice3A_336, %dot_general3A_337 {dimension_numbers = #tpu.dot_dimension_numbers<[1], [0], [0], [1], [0, 0, 1, 1], [], []>, transpose_lhs_hint = false} : vector<64x64xbf16>, vector<64x64xbf16>, vector<64x64xf32> -> vector<64x64xf32>
    %slice3A_339 = vector.extract_strided_slice %slice3A_322 {offsets = [0, 256], sizes = [64, 64], strides = [1, 1]} : vector<64x512xbf16> to vector<64x64xbf16>
    %slice3A_340 = vector.extract_strided_slice %convert_element_type3A_6 {offsets = [448, 256], sizes = [64, 64], strides = [1, 1]} : vector<512x512xbf16> to vector<64x64xbf16>
    %dot_general3A_341 = arith.constant dense<0.000000e+00> : vector<64x64xf32>
    %dot_general3A_342 = tpu.matmul %slice3A_339, %slice3A_340, %dot_general3A_341 {dimension_numbers = #tpu.dot_dimension_numbers<[1], [0], [0], [1], [0, 0, 1, 1], [], []>, transpose_lhs_hint = false} : vector<64x64xbf16>, vector<64x64xbf16>, vector<64x64xf32> -> vector<64x64xf32>
    %slice3A_343 = vector.extract_strided_slice %slice3A_322 {offsets = [0, 320], sizes = [64, 64], strides = [1, 1]} : vector<64x512xbf16> to vector<64x64xbf16>
    %slice3A_344 = vector.extract_strided_slice %convert_element_type3A_6 {offsets = [448, 320], sizes = [64, 64], strides = [1, 1]} : vector<512x512xbf16> to vector<64x64xbf16>
    %dot_general3A_345 = arith.constant dense<0.000000e+00> : vector<64x64xf32>
    %dot_general3A_346 = tpu.matmul %slice3A_343, %slice3A_344, %dot_general3A_345 {dimension_numbers = #tpu.dot_dimension_numbers<[1], [0], [0], [1], [0, 0, 1, 1], [], []>, transpose_lhs_hint = false} : vector<64x64xbf16>, vector<64x64xbf16>, vector<64x64xf32> -> vector<64x64xf32>
    %slice3A_347 = vector.extract_strided_slice %slice3A_322 {offsets = [0, 384], sizes = [64, 64], strides = [1, 1]} : vector<64x512xbf16> to vector<64x64xbf16>
    %slice3A_348 = vector.extract_strided_slice %convert_element_type3A_6 {offsets = [448, 384], sizes = [64, 64], strides = [1, 1]} : vector<512x512xbf16> to vector<64x64xbf16>
    %dot_general3A_349 = arith.constant dense<0.000000e+00> : vector<64x64xf32>
    %dot_general3A_350 = tpu.matmul %slice3A_347, %slice3A_348, %dot_general3A_349 {dimension_numbers = #tpu.dot_dimension_numbers<[1], [0], [0], [1], [0, 0, 1, 1], [], []>, transpose_lhs_hint = false} : vector<64x64xbf16>, vector<64x64xbf16>, vector<64x64xf32> -> vector<64x64xf32>
    %slice3A_351 = vector.extract_strided_slice %slice3A_322 {offsets = [0, 448], sizes = [64, 64], strides = [1, 1]} : vector<64x512xbf16> to vector<64x64xbf16>
    %slice3A_352 = vector.extract_strided_slice %convert_element_type3A_6 {offsets = [448, 448], sizes = [64, 64], strides = [1, 1]} : vector<512x512xbf16> to vector<64x64xbf16>
    %dot_general3A_353 = arith.constant dense<0.000000e+00> : vector<64x64xf32>
    %dot_general3A_354 = tpu.matmul %slice3A_351, %slice3A_352, %dot_general3A_353 {dimension_numbers = #tpu.dot_dimension_numbers<[1], [0], [0], [1], [0, 0, 1, 1], [], []>, transpose_lhs_hint = false} : vector<64x64xbf16>, vector<64x64xbf16>, vector<64x64xf32> -> vector<64x64xf32>
    %concatenate3A_355 = tpu.concatenate %dot_general3A_326, %dot_general3A_330, %dot_general3A_334, %dot_general3A_338, %dot_general3A_342, %dot_general3A_346, %dot_general3A_350, %dot_general3A_354 in 1 : vector<64x64xf32>, vector<64x64xf32>, vector<64x64xf32>, vector<64x64xf32>, vector<64x64xf32>, vector<64x64xf32>, vector<64x64xf32>, vector<64x64xf32> -> vector<64x512xf32>
    %concatenate3A_356 = tpu.concatenate %concatenate3A_117, %concatenate3A_151, %concatenate3A_185, %concatenate3A_219, %concatenate3A_253, %concatenate3A_287, %concatenate3A_321, %concatenate3A_355 in 0 : vector<64x512xf32>, vector<64x512xf32>, vector<64x512xf32>, vector<64x512xf32>, vector<64x512xf32>, vector<64x512xf32>, vector<64x512xf32>, vector<64x512xf32> -> vector<512x512xf32>
    %mul3A_357 = arith.mulf %concatenate3A_356, %dot_general3A_83 : vector<512x512xf32>
    %get3A_358 = arith.constant 0 : index
    %get3A_359 = arith.constant 0 : index
    %get3A_360 = vector.load %arg4[%get3A_358, %get3A_359] : memref<1x512xf32, #tpu.memory_space<vmem>>, vector<1x512xf32>
    %add3A_361 = vector.broadcast %get3A_360 : vector<1x512xf32> to vector<512x512xf32>
    %add3A_362 = arith.addf %mul3A_357, %add3A_361 : vector<512x512xf32>
    %gt3A = arith.constant 0.000000e+00 : f32
    %gt3A_363 = vector.broadcast %gt3A : f32 to vector<512x512xf32>
    %gt3A_364 = arith.cmpf ogt, %add3A_362, %gt3A_363 : vector<512x512xf32>
    %min3A = arith.constant 0.000000e+00 : f32
    %min3A_365 = vector.broadcast %min3A : f32 to vector<512x512xf32>
    %min3A_366 = arith.minimumf %add3A_362, %min3A_365 : vector<512x512xf32>
    %exp3A_367 = math.exp %min3A_366 : vector<512x512xf32>
    %sub3A = arith.constant 1.000000e+00 : f32
    %sub3A_368 = vector.broadcast %sub3A : f32 to vector<512x512xf32>
    %sub3A_369 = arith.subf %exp3A_367, %sub3A_368 : vector<512x512xf32>
    %select_n3A_370 = arith.select %gt3A_364, %add3A_362, %sub3A_369 : vector<512x512xi1>, vector<512x512xf32>
    %convert_element_type3A_371 = arith.truncf %select_n3A_370 : vector<512x512xf32> to vector<512x512xbf16>
    %get3A_372 = arith.constant 0 : index
    %get3A_373 = arith.constant 0 : index
    %get3A_374 = vector.load %arg5[%get3A_372, %get3A_373] : memref<512x258xbf16, #tpu.memory_space<vmem>>, vector<512x258xbf16>
    %dot_general3A_375 = arith.constant dense<0.000000e+00> : vector<512x258xf32>
    %dot_general3A_376 = tpu.matmul %convert_element_type3A_371, %get3A_374, %dot_general3A_375 {dimension_numbers = #tpu.dot_dimension_numbers<[1], [0], [0], [1], [0, 0, 1, 1], [], []>, transpose_lhs_hint = false} : vector<512x512xbf16>, vector<512x258xbf16>, vector<512x258xf32> -> vector<512x258xf32>
    %slice3A_377 = vector.extract_strided_slice %dot_general3A_376 {offsets = [0, 0], sizes = [512, 256], strides = [1, 1]} : vector<512x258xf32> to vector<512x256xf32>
    %convert_element_type3A_378 = arith.truncf %slice3A_377 : vector<512x256xf32> to vector<512x256xbf16>
    %slice3A_379 = vector.extract_strided_slice %dot_general3A_376 {offsets = [0, 256], sizes = [512, 1], strides = [1, 1]} : vector<512x258xf32> to vector<512x1xf32>
    %slice3A_380 = vector.extract_strided_slice %dot_general3A_376 {offsets = [0, 257], sizes = [512, 1], strides = [1, 1]} : vector<512x258xf32> to vector<512x1xf32>
    %slice3A_381 = vector.extract_strided_slice %get3A_16 {offsets = [0, 0], sizes = [512, 64], strides = [1, 1]} : vector<512x512xbf16> to vector<512x64xbf16>
    %convert_element_type3A_382 = arith.extf %slice3A_381 : vector<512x64xbf16> to vector<512x64xf32>
    %mul3A_383 = vector.broadcast %slice3A_379 : vector<512x1xf32> to vector<512x64xf32>
    %mul3A_384 = arith.mulf %mul3A_383, %convert_element_type3A_382 : vector<512x64xf32>
    %convert_element_type3A_385 = arith.truncf %mul3A_384 : vector<512x64xf32> to vector<512x64xbf16>
    %dot_general3A_386 = arith.constant dense<0.000000e+00> : vector<8x64xf32>
    %dot_general3A_387 = tpu.matmul %get3A_19, %convert_element_type3A_385, %dot_general3A_386 {dimension_numbers = #tpu.dot_dimension_numbers<[1], [0], [0], [1], [0, 0, 1, 1], [], []>, transpose_lhs_hint = false} : vector<8x512xbf16>, vector<512x64xbf16>, vector<8x64xf32> -> vector<8x64xf32>
    %get3A_388 = arith.constant 0 : index
    %get3A_389 = arith.constant 0 : index
    %get3A_390 = vector.load %arg10[%get3A_388, %get3A_389] : memref<512x8xbf16, #tpu.memory_space<vmem>>, vector<512x8xbf16>
    %convert_element_type3A_391 = arith.truncf %dot_general3A_387 : vector<8x64xf32> to vector<8x64xbf16>
    %dot_general3A_392 = arith.constant dense<0.000000e+00> : vector<512x64xf32>
    %dot_general3A_393 = tpu.matmul %get3A_390, %convert_element_type3A_391, %dot_general3A_392 {dimension_numbers = #tpu.dot_dimension_numbers<[1], [0], [0], [1], [0, 0, 1, 1], [], []>, transpose_lhs_hint = false} : vector<512x8xbf16>, vector<8x64xbf16>, vector<512x64xf32> -> vector<512x64xf32>
    %add3A_394 = vector.broadcast %slice3A_380 : vector<512x1xf32> to vector<512x64xf32>
    %add3A_395 = arith.addf %add3A_394, %dot_general3A_393 : vector<512x64xf32>
    %ge3A_396 = arith.constant 0.000000e+00 : f32
    %ge3A_397 = vector.broadcast %ge3A_396 : f32 to vector<512x64xf32>
    %ge3A_398 = arith.cmpf oge, %add3A_395, %ge3A_397 : vector<512x64xf32>
    %mul3A_399 = arith.constant 2.000000e-01 : f32
    %mul3A_400 = vector.broadcast %mul3A_399 : f32 to vector<512x64xf32>
    %mul3A_401 = arith.mulf %mul3A_400, %add3A_395 : vector<512x64xf32>
    %select_n3A_402 = arith.select %ge3A_398, %add3A_395, %mul3A_401 : vector<512x64xi1>, vector<512x64xf32>
    %get3A_403 = arith.constant 0 : index
    %get3A_404 = arith.constant 0 : index
    %get3A_405 = vector.load %arg2[%get3A_403, %get3A_404] : memref<512x64xf32, #tpu.memory_space<vmem>>, vector<512x64xf32>
    %exp3A_406 = math.exp %select_n3A_402 : vector<512x64xf32>
    %mul3A_407 = arith.mulf %get3A_405, %exp3A_406 : vector<512x64xf32>
    %reduce_sum3A = arith.constant dense<0.000000e+00> : vector<512xf32>
    %reduce_sum3A_408 = vector.multi_reduction <add>, %mul3A_407, %reduce_sum3A [1] : vector<512x64xf32> to vector<512xf32>
    %broadcast_in_dim3A = vector.shape_cast %reduce_sum3A_408 : vector<512xf32> to vector<512x1xf32>
    %add3A_409 = arith.constant 1.000000e-16 : f32
    %add3A_410 = vector.broadcast %add3A_409 : f32 to vector<512x1xf32>
    %add3A_411 = arith.addf %broadcast_in_dim3A, %add3A_410 : vector<512x1xf32>
    %convert_element_type3A_412 = arith.truncf %mul3A_407 : vector<512x64xf32> to vector<512x64xbf16>
    %slice3A_413 = vector.extract_strided_slice %convert_element_type3A_412 {offsets = [0, 0], sizes = [64, 64], strides = [1, 1]} : vector<512x64xbf16> to vector<64x64xbf16>
    %slice3A_414 = vector.extract_strided_slice %convert_element_type3A_378 {offsets = [0, 0], sizes = [64, 256], strides = [1, 1]} : vector<512x256xbf16> to vector<64x256xbf16>
    %dot_general3A_415 = arith.constant dense<0.000000e+00> : vector<64x256xf32>
    %dot_general3A_416 = tpu.matmul %slice3A_413, %slice3A_414, %dot_general3A_415 {dimension_numbers = #tpu.dot_dimension_numbers<[1], [0], [0], [1], [0, 0, 1, 1], [], []>, transpose_lhs_hint = false} : vector<64x64xbf16>, vector<64x256xbf16>, vector<64x256xf32> -> vector<64x256xf32>
    %slice3A_417 = vector.extract_strided_slice %add3A_411 {offsets = [0, 0], sizes = [64, 1], strides = [1, 1]} : vector<512x1xf32> to vector<64x1xf32>
    %div3A_418 = vector.broadcast %slice3A_417 : vector<64x1xf32> to vector<64x256xf32>
    %div3A_419 = arith.divf %dot_general3A_416, %div3A_418 : vector<64x256xf32>
    %get3A_420 = arith.constant 0 : index
    %get3A_421 = arith.constant 0 : index
    %get3A_422 = vector.load %arg6[%get3A_420, %get3A_421] : memref<1x256xf32, #tpu.memory_space<vmem>>, vector<1x256xf32>
    %add3A_423 = vector.broadcast %get3A_422 : vector<1x256xf32> to vector<64x256xf32>
    %add3A_424 = arith.addf %div3A_419, %add3A_423 : vector<64x256xf32>
    %reduce_min3A = arith.constant dense<0x7F800000> : vector<256xf32>
    %reduce_min3A_425 = vector.multi_reduction <minimumf>, %add3A_424, %reduce_min3A [0] : vector<64x256xf32> to vector<256xf32>
    %broadcast_in_dim3A_426 = vector.shape_cast %reduce_min3A_425 : vector<256xf32> to vector<1x256xf32>
    %swap3A = arith.constant 0 : index
    %swap3A_427 = arith.constant 0 : index
    %swap3A_428 = vector.load %arg13[%swap3A, %swap3A_427] : memref<8x256xf32, #tpu.memory_space<vmem>>, vector<1x256xf32>
    tpu.vector_store %arg13[%swap3A, %swap3A_427], %broadcast_in_dim3A_426 {strides = array<i32>} : memref<8x256xf32, #tpu.memory_space<vmem>>, vector<1x256xf32>,
    %slice3A_429 = vector.extract_strided_slice %convert_element_type3A_412 {offsets = [64, 0], sizes = [64, 64], strides = [1, 1]} : vector<512x64xbf16> to vector<64x64xbf16>
    %slice3A_430 = vector.extract_strided_slice %convert_element_type3A_378 {offsets = [64, 0], sizes = [64, 256], strides = [1, 1]} : vector<512x256xbf16> to vector<64x256xbf16>
    %dot_general3A_431 = arith.constant dense<0.000000e+00> : vector<64x256xf32>
    %dot_general3A_432 = tpu.matmul %slice3A_429, %slice3A_430, %dot_general3A_431 {dimension_numbers = #tpu.dot_dimension_numbers<[1], [0], [0], [1], [0, 0, 1, 1], [], []>, transpose_lhs_hint = false} : vector<64x64xbf16>, vector<64x256xbf16>, vector<64x256xf32> -> vector<64x256xf32>
    %slice3A_433 = vector.extract_strided_slice %add3A_411 {offsets = [64, 0], sizes = [64, 1], strides = [1, 1]} : vector<512x1xf32> to vector<64x1xf32>
    %div3A_434 = vector.broadcast %slice3A_433 : vector<64x1xf32> to vector<64x256xf32>
    %div3A_435 = arith.divf %dot_general3A_432, %div3A_434 : vector<64x256xf32>
    %get3A_436 = arith.constant 0 : index
    %get3A_437 = arith.constant 0 : index
    %get3A_438 = vector.load %arg6[%get3A_436, %get3A_437] : memref<1x256xf32, #tpu.memory_space<vmem>>, vector<1x256xf32>
    %add3A_439 = vector.broadcast %get3A_438 : vector<1x256xf32> to vector<64x256xf32>
    %add3A_440 = arith.addf %div3A_435, %add3A_439 : vector<64x256xf32>
    %reduce_min3A_441 = arith.constant dense<0x7F800000> : vector<256xf32>
    %reduce_min3A_442 = vector.multi_reduction <minimumf>, %add3A_440, %reduce_min3A_441 [0] : vector<64x256xf32> to vector<256xf32>
    %broadcast_in_dim3A_443 = vector.shape_cast %reduce_min3A_442 : vector<256xf32> to vector<1x256xf32>
    %swap3A_444 = arith.constant 1 : index
    %swap3A_445 = arith.constant 0 : index
    %swap3A_446 = vector.load %arg13[%swap3A_444, %swap3A_445] : memref<8x256xf32, #tpu.memory_space<vmem>>, vector<1x256xf32>
    tpu.vector_store %arg13[%swap3A_444, %swap3A_445], %broadcast_in_dim3A_443 {strides = array<i32>} : memref<8x256xf32, #tpu.memory_space<vmem>>, vector<1x256xf32>,
    %slice3A_447 = vector.extract_strided_slice %convert_element_type3A_412 {offsets = [128, 0], sizes = [64, 64], strides = [1, 1]} : vector<512x64xbf16> to vector<64x64xbf16>
    %slice3A_448 = vector.extract_strided_slice %convert_element_type3A_378 {offsets = [128, 0], sizes = [64, 256], strides = [1, 1]} : vector<512x256xbf16> to vector<64x256xbf16>
    %dot_general3A_449 = arith.constant dense<0.000000e+00> : vector<64x256xf32>
    %dot_general3A_450 = tpu.matmul %slice3A_447, %slice3A_448, %dot_general3A_449 {dimension_numbers = #tpu.dot_dimension_numbers<[1], [0], [0], [1], [0, 0, 1, 1], [], []>, transpose_lhs_hint = false} : vector<64x64xbf16>, vector<64x256xbf16>, vector<64x256xf32> -> vector<64x256xf32>
    %slice3A_451 = vector.extract_strided_slice %add3A_411 {offsets = [128, 0], sizes = [64, 1], strides = [1, 1]} : vector<512x1xf32> to vector<64x1xf32>
    %div3A_452 = vector.broadcast %slice3A_451 : vector<64x1xf32> to vector<64x256xf32>
    %div3A_453 = arith.divf %dot_general3A_450, %div3A_452 : vector<64x256xf32>
    %get3A_454 = arith.constant 0 : index
    %get3A_455 = arith.constant 0 : index
    %get3A_456 = vector.load %arg6[%get3A_454, %get3A_455] : memref<1x256xf32, #tpu.memory_space<vmem>>, vector<1x256xf32>
    %add3A_457 = vector.broadcast %get3A_456 : vector<1x256xf32> to vector<64x256xf32>
    %add3A_458 = arith.addf %div3A_453, %add3A_457 : vector<64x256xf32>
    %reduce_min3A_459 = arith.constant dense<0x7F800000> : vector<256xf32>
    %reduce_min3A_460 = vector.multi_reduction <minimumf>, %add3A_458, %reduce_min3A_459 [0] : vector<64x256xf32> to vector<256xf32>
    %broadcast_in_dim3A_461 = vector.shape_cast %reduce_min3A_460 : vector<256xf32> to vector<1x256xf32>
    %swap3A_462 = arith.constant 2 : index
    %swap3A_463 = arith.constant 0 : index
    %swap3A_464 = vector.load %arg13[%swap3A_462, %swap3A_463] : memref<8x256xf32, #tpu.memory_space<vmem>>, vector<1x256xf32>
    tpu.vector_store %arg13[%swap3A_462, %swap3A_463], %broadcast_in_dim3A_461 {strides = array<i32>} : memref<8x256xf32, #tpu.memory_space<vmem>>, vector<1x256xf32>,
    %slice3A_465 = vector.extract_strided_slice %convert_element_type3A_412 {offsets = [192, 0], sizes = [64, 64], strides = [1, 1]} : vector<512x64xbf16> to vector<64x64xbf16>
    %slice3A_466 = vector.extract_strided_slice %convert_element_type3A_378 {offsets = [192, 0], sizes = [64, 256], strides = [1, 1]} : vector<512x256xbf16> to vector<64x256xbf16>
    %dot_general3A_467 = arith.constant dense<0.000000e+00> : vector<64x256xf32>
    %dot_general3A_468 = tpu.matmul %slice3A_465, %slice3A_466, %dot_general3A_467 {dimension_numbers = #tpu.dot_dimension_numbers<[1], [0], [0], [1], [0, 0, 1, 1], [], []>, transpose_lhs_hint = false} : vector<64x64xbf16>, vector<64x256xbf16>, vector<64x256xf32> -> vector<64x256xf32>
    %slice3A_469 = vector.extract_strided_slice %add3A_411 {offsets = [192, 0], sizes = [64, 1], strides = [1, 1]} : vector<512x1xf32> to vector<64x1xf32>
    %div3A_470 = vector.broadcast %slice3A_469 : vector<64x1xf32> to vector<64x256xf32>
    %div3A_471 = arith.divf %dot_general3A_468, %div3A_470 : vector<64x256xf32>
    %get3A_472 = arith.constant 0 : index
    %get3A_473 = arith.constant 0 : index
    %get3A_474 = vector.load %arg6[%get3A_472, %get3A_473] : memref<1x256xf32, #tpu.memory_space<vmem>>, vector<1x256xf32>
    %add3A_475 = vector.broadcast %get3A_474 : vector<1x256xf32> to vector<64x256xf32>
    %add3A_476 = arith.addf %div3A_471, %add3A_475 : vector<64x256xf32>
    %reduce_min3A_477 = arith.constant dense<0x7F800000> : vector<256xf32>
    %reduce_min3A_478 = vector.multi_reduction <minimumf>, %add3A_476, %reduce_min3A_477 [0] : vector<64x256xf32> to vector<256xf32>
    %broadcast_in_dim3A_479 = vector.shape_cast %reduce_min3A_478 : vector<256xf32> to vector<1x256xf32>
    %swap3A_480 = arith.constant 3 : index
    %swap3A_481 = arith.constant 0 : index
    %swap3A_482 = vector.load %arg13[%swap3A_480, %swap3A_481] : memref<8x256xf32, #tpu.memory_space<vmem>>, vector<1x256xf32>
    tpu.vector_store %arg13[%swap3A_480, %swap3A_481], %broadcast_in_dim3A_479 {strides = array<i32>} : memref<8x256xf32, #tpu.memory_space<vmem>>, vector<1x256xf32>,
    %slice3A_483 = vector.extract_strided_slice %convert_element_type3A_412 {offsets = [256, 0], sizes = [64, 64], strides = [1, 1]} : vector<512x64xbf16> to vector<64x64xbf16>
    %slice3A_484 = vector.extract_strided_slice %convert_element_type3A_378 {offsets = [256, 0], sizes = [64, 256], strides = [1, 1]} : vector<512x256xbf16> to vector<64x256xbf16>
    %dot_general3A_485 = arith.constant dense<0.000000e+00> : vector<64x256xf32>
    %dot_general3A_486 = tpu.matmul %slice3A_483, %slice3A_484, %dot_general3A_485 {dimension_numbers = #tpu.dot_dimension_numbers<[1], [0], [0], [1], [0, 0, 1, 1], [], []>, transpose_lhs_hint = false} : vector<64x64xbf16>, vector<64x256xbf16>, vector<64x256xf32> -> vector<64x256xf32>
    %slice3A_487 = vector.extract_strided_slice %add3A_411 {offsets = [256, 0], sizes = [64, 1], strides = [1, 1]} : vector<512x1xf32> to vector<64x1xf32>
    %div3A_488 = vector.broadcast %slice3A_487 : vector<64x1xf32> to vector<64x256xf32>
    %div3A_489 = arith.divf %dot_general3A_486, %div3A_488 : vector<64x256xf32>
    %get3A_490 = arith.constant 0 : index
    %get3A_491 = arith.constant 0 : index
    %get3A_492 = vector.load %arg6[%get3A_490, %get3A_491] : memref<1x256xf32, #tpu.memory_space<vmem>>, vector<1x256xf32>
    %add3A_493 = vector.broadcast %get3A_492 : vector<1x256xf32> to vector<64x256xf32>
    %add3A_494 = arith.addf %div3A_489, %add3A_493 : vector<64x256xf32>
    %reduce_min3A_495 = arith.constant dense<0x7F800000> : vector<256xf32>
    %reduce_min3A_496 = vector.multi_reduction <minimumf>, %add3A_494, %reduce_min3A_495 [0] : vector<64x256xf32> to vector<256xf32>
    %broadcast_in_dim3A_497 = vector.shape_cast %reduce_min3A_496 : vector<256xf32> to vector<1x256xf32>
    %swap3A_498 = arith.constant 4 : index
    %swap3A_499 = arith.constant 0 : index
    %swap3A_500 = vector.load %arg13[%swap3A_498, %swap3A_499] : memref<8x256xf32, #tpu.memory_space<vmem>>, vector<1x256xf32>
    tpu.vector_store %arg13[%swap3A_498, %swap3A_499], %broadcast_in_dim3A_497 {strides = array<i32>} : memref<8x256xf32, #tpu.memory_space<vmem>>, vector<1x256xf32>,
    %slice3A_501 = vector.extract_strided_slice %convert_element_type3A_412 {offsets = [320, 0], sizes = [64, 64], strides = [1, 1]} : vector<512x64xbf16> to vector<64x64xbf16>
    %slice3A_502 = vector.extract_strided_slice %convert_element_type3A_378 {offsets = [320, 0], sizes = [64, 256], strides = [1, 1]} : vector<512x256xbf16> to vector<64x256xbf16>
    %dot_general3A_503 = arith.constant dense<0.000000e+00> : vector<64x256xf32>
    %dot_general3A_504 = tpu.matmul %slice3A_501, %slice3A_502, %dot_general3A_503 {dimension_numbers = #tpu.dot_dimension_numbers<[1], [0], [0], [1], [0, 0, 1, 1], [], []>, transpose_lhs_hint = false} : vector<64x64xbf16>, vector<64x256xbf16>, vector<64x256xf32> -> vector<64x256xf32>
    %slice3A_505 = vector.extract_strided_slice %add3A_411 {offsets = [320, 0], sizes = [64, 1], strides = [1, 1]} : vector<512x1xf32> to vector<64x1xf32>
    %div3A_506 = vector.broadcast %slice3A_505 : vector<64x1xf32> to vector<64x256xf32>
    %div3A_507 = arith.divf %dot_general3A_504, %div3A_506 : vector<64x256xf32>
    %get3A_508 = arith.constant 0 : index
    %get3A_509 = arith.constant 0 : index
    %get3A_510 = vector.load %arg6[%get3A_508, %get3A_509] : memref<1x256xf32, #tpu.memory_space<vmem>>, vector<1x256xf32>
    %add3A_511 = vector.broadcast %get3A_510 : vector<1x256xf32> to vector<64x256xf32>
    %add3A_512 = arith.addf %div3A_507, %add3A_511 : vector<64x256xf32>
    %reduce_min3A_513 = arith.constant dense<0x7F800000> : vector<256xf32>
    %reduce_min3A_514 = vector.multi_reduction <minimumf>, %add3A_512, %reduce_min3A_513 [0] : vector<64x256xf32> to vector<256xf32>
    %broadcast_in_dim3A_515 = vector.shape_cast %reduce_min3A_514 : vector<256xf32> to vector<1x256xf32>
    %swap3A_516 = arith.constant 5 : index
    %swap3A_517 = arith.constant 0 : index
    %swap3A_518 = vector.load %arg13[%swap3A_516, %swap3A_517] : memref<8x256xf32, #tpu.memory_space<vmem>>, vector<1x256xf32>
    tpu.vector_store %arg13[%swap3A_516, %swap3A_517], %broadcast_in_dim3A_515 {strides = array<i32>} : memref<8x256xf32, #tpu.memory_space<vmem>>, vector<1x256xf32>,
    %slice3A_519 = vector.extract_strided_slice %convert_element_type3A_412 {offsets = [384, 0], sizes = [64, 64], strides = [1, 1]} : vector<512x64xbf16> to vector<64x64xbf16>
    %slice3A_520 = vector.extract_strided_slice %convert_element_type3A_378 {offsets = [384, 0], sizes = [64, 256], strides = [1, 1]} : vector<512x256xbf16> to vector<64x256xbf16>
    %dot_general3A_521 = arith.constant dense<0.000000e+00> : vector<64x256xf32>
    %dot_general3A_522 = tpu.matmul %slice3A_519, %slice3A_520, %dot_general3A_521 {dimension_numbers = #tpu.dot_dimension_numbers<[1], [0], [0], [1], [0, 0, 1, 1], [], []>, transpose_lhs_hint = false} : vector<64x64xbf16>, vector<64x256xbf16>, vector<64x256xf32> -> vector<64x256xf32>
    %slice3A_523 = vector.extract_strided_slice %add3A_411 {offsets = [384, 0], sizes = [64, 1], strides = [1, 1]} : vector<512x1xf32> to vector<64x1xf32>
    %div3A_524 = vector.broadcast %slice3A_523 : vector<64x1xf32> to vector<64x256xf32>
    %div3A_525 = arith.divf %dot_general3A_522, %div3A_524 : vector<64x256xf32>
    %get3A_526 = arith.constant 0 : index
    %get3A_527 = arith.constant 0 : index
    %get3A_528 = vector.load %arg6[%get3A_526, %get3A_527] : memref<1x256xf32, #tpu.memory_space<vmem>>, vector<1x256xf32>
    %add3A_529 = vector.broadcast %get3A_528 : vector<1x256xf32> to vector<64x256xf32>
    %add3A_530 = arith.addf %div3A_525, %add3A_529 : vector<64x256xf32>
    %reduce_min3A_531 = arith.constant dense<0x7F800000> : vector<256xf32>
    %reduce_min3A_532 = vector.multi_reduction <minimumf>, %add3A_530, %reduce_min3A_531 [0] : vector<64x256xf32> to vector<256xf32>
    %broadcast_in_dim3A_533 = vector.shape_cast %reduce_min3A_532 : vector<256xf32> to vector<1x256xf32>
    %swap3A_534 = arith.constant 6 : index
    %swap3A_535 = arith.constant 0 : index
    %swap3A_536 = vector.load %arg13[%swap3A_534, %swap3A_535] : memref<8x256xf32, #tpu.memory_space<vmem>>, vector<1x256xf32>
    tpu.vector_store %arg13[%swap3A_534, %swap3A_535], %broadcast_in_dim3A_533 {strides = array<i32>} : memref<8x256xf32, #tpu.memory_space<vmem>>, vector<1x256xf32>,
    %slice3A_537 = vector.extract_strided_slice %convert_element_type3A_412 {offsets = [448, 0], sizes = [64, 64], strides = [1, 1]} : vector<512x64xbf16> to vector<64x64xbf16>
    %slice3A_538 = vector.extract_strided_slice %convert_element_type3A_378 {offsets = [448, 0], sizes = [64, 256], strides = [1, 1]} : vector<512x256xbf16> to vector<64x256xbf16>
    %dot_general3A_539 = arith.constant dense<0.000000e+00> : vector<64x256xf32>
    %dot_general3A_540 = tpu.matmul %slice3A_537, %slice3A_538, %dot_general3A_539 {dimension_numbers = #tpu.dot_dimension_numbers<[1], [0], [0], [1], [0, 0, 1, 1], [], []>, transpose_lhs_hint = false} : vector<64x64xbf16>, vector<64x256xbf16>, vector<64x256xf32> -> vector<64x256xf32>
    %slice3A_541 = vector.extract_strided_slice %add3A_411 {offsets = [448, 0], sizes = [64, 1], strides = [1, 1]} : vector<512x1xf32> to vector<64x1xf32>
    %div3A_542 = vector.broadcast %slice3A_541 : vector<64x1xf32> to vector<64x256xf32>
    %div3A_543 = arith.divf %dot_general3A_540, %div3A_542 : vector<64x256xf32>
    %get3A_544 = arith.constant 0 : index
    %get3A_545 = arith.constant 0 : index
    %get3A_546 = vector.load %arg6[%get3A_544, %get3A_545] : memref<1x256xf32, #tpu.memory_space<vmem>>, vector<1x256xf32>
    %add3A_547 = vector.broadcast %get3A_546 : vector<1x256xf32> to vector<64x256xf32>
    %add3A_548 = arith.addf %div3A_543, %add3A_547 : vector<64x256xf32>
    %reduce_min3A_549 = arith.constant dense<0x7F800000> : vector<256xf32>
    %reduce_min3A_550 = vector.multi_reduction <minimumf>, %add3A_548, %reduce_min3A_549 [0] : vector<64x256xf32> to vector<256xf32>
    %broadcast_in_dim3A_551 = vector.shape_cast %reduce_min3A_550 : vector<256xf32> to vector<1x256xf32>
    %swap3A_552 = arith.constant 7 : index
    %swap3A_553 = arith.constant 0 : index
    %swap3A_554 = vector.load %arg13[%swap3A_552, %swap3A_553] : memref<8x256xf32, #tpu.memory_space<vmem>>, vector<1x256xf32>
    tpu.vector_store %arg13[%swap3A_552, %swap3A_553], %broadcast_in_dim3A_551 {strides = array<i32>} : memref<8x256xf32, #tpu.memory_space<vmem>>, vector<1x256xf32>,
    return
  }
  func.func @transform_0(%arg0: i32) -> (i32, i32) {
    %c0_i32 = arith.constant 0 : i32
    %c0_i32_0 = arith.constant 0 : i32
    return %arg0, %c0_i32 : i32, i32
  }
  func.func @transform_1(%arg0: i32) -> (i32, i32) {
    %c0_i32 = arith.constant 0 : i32
    %c0_i32_0 = arith.constant 0 : i32
    return %arg0, %c0_i32 : i32, i32
  }
  func.func @transform_2(%arg0: i32) -> (i32, i32) {
    %c0_i32 = arith.constant 0 : i32
    %c0_i32_0 = arith.constant 0 : i32
    %c0_i32_1 = arith.constant 0 : i32
    return %c0_i32, %c0_i32_0 : i32, i32
  }
  func.func @transform_3(%arg0: i32) -> (i32, i32) {
    %c0_i32 = arith.constant 0 : i32
    %c0_i32_0 = arith.constant 0 : i32
    %c0_i32_1 = arith.constant 0 : i32
    return %c0_i32, %c0_i32_0 : i32, i32
  }
  func.func @transform_4(%arg0: i32) -> (i32, i32) {
    %c0_i32 = arith.constant 0 : i32
    %c0_i32_0 = arith.constant 0 : i32
    %c0_i32_1 = arith.constant 0 : i32
    return %c0_i32, %c0_i32_0 : i32, i32
  }
  func.func @transform_5(%arg0: i32) -> (i32, i32) {
    %c0_i32 = arith.constant 0 : i32
    %c0_i32_0 = arith.constant 0 : i32
    %c0_i32_1 = arith.constant 0 : i32
    return %c0_i32, %c0_i32_0 : i32, i32
  }
  func.func @transform_6(%arg0: i32) -> (i32, i32) {
    %c0_i32 = arith.constant 0 : i32
    %c0_i32_0 = arith.constant 0 : i32
    %c0_i32_1 = arith.constant 0 : i32
    return %c0_i32, %c0_i32_0 : i32, i32
  }
  func.func @transform_7(%arg0: i32) -> (i32, i32) {
    %c0_i32 = arith.constant 0 : i32
    %c0_i32_0 = arith.constant 0 : i32
    %c0_i32_1 = arith.constant 0 : i32
    return %c0_i32, %c0_i32_0 : i32, i32
  }
  func.func @transform_8(%arg0: i32) -> (i32, i32) {
    %c0_i32 = arith.constant 0 : i32
    %c0_i32_0 = arith.constant 0 : i32
    %c0_i32_1 = arith.constant 0 : i32
    return %c0_i32, %c0_i32_0 : i32, i32
  }
  func.func @transform_9(%arg0: i32) -> (i32, i32) {
    %c0_i32 = arith.constant 0 : i32
    %c0_i32_0 = arith.constant 0 : i32
    %c0_i32_1 = arith.constant 0 : i32
    return %c0_i32, %c0_i32_0 : i32, i32
  }
  func.func @transform_10(%arg0: i32) -> (i32, i32) {
    %c0_i32 = arith.constant 0 : i32
    %c0_i32_0 = arith.constant 0 : i32
    %c0_i32_1 = arith.constant 0 : i32
    return %c0_i32, %c0_i32_0 : i32, i32
  }
  func.func @transform_11(%arg0: i32) -> (i32, i32) {
    %c0_i32 = arith.constant 0 : i32
    %c0_i32_0 = arith.constant 0 : i32
    %c0_i32_1 = arith.constant 0 : i32
    return %c0_i32, %c0_i32_0 : i32, i32
  }
  func.func @transform_12(%arg0: i32) -> (i32, i32) {
    %c0_i32 = arith.constant 0 : i32
    %c0_i32_0 = arith.constant 0 : i32
    return %arg0, %c0_i32 : i32, i32
  }
}

</mosaic_0001>

<sc_bundles>
// kernel: kernel.6.cloned.1.call-start
scs
__scs_entry_jumppad:
0x0: {  	(pc) =	sbr.rel $0x88, $3  }
0x1: {  	(tag) =	ssettag $0x0;
	lr =	simm.s32 $0x1  }
0x2: {  	[smem:$0x3F92] =	sst lr;
	_ =	strace $0xD0000000  }
0x3: {  	_ = 	snop  }
0x4: {  	_ = 	snop  }
0x5: {  	_ = 	snop  }
0x6: {  	_ = 	snop  }
0x7: {  	_ = 	snop  }
__scs_overlays_trampoline_lowered:
0x8: {  	[smem:$0x3FA1] =	sst s0  }
0x9: {  	[smem:$0x3FA2] =	sst s1  }
0xa: {  	[smem:$0x3FA3] =	sst s2  }
0xb: {  	[smem:$0x3FA4] =	sst s3  }
0xc: {  	[smem:$0x3FA5] =	sst s4  }
0xd: {  	[smem:$0x3FA6] =	sst s5  }
0xe: {  	[smem:$0x3FA7] =	sst s6  }
0xf: {  	[smem:$0x3FA8] =	sst s7  }
0x10: {  	[smem:$0x3FA9] =	sst s8  }
0x11: {  	[smem:$0x3FAA] =	sst s9;
	s0 =	simm.s32 @!p0 $0x0  }
0x12: {  	s1 =	sld [smem:$0x3F90];
	s0 =	simm.s32 @p0 $0x1  }
0x13: {  	[smem:$0x3FAB] =	sst s0;
	s0 =	simm.s32 @!p1 $0x0  }
0x14: {  	s2 =	sld [smem:$0x3F8F];
	s0 =	simm.s32 @p1 $0x1  }
0x15: {  	[smem:$0x3FAC] =	sst s0;
	s0 =	simm.s32 @!p2 $0x0  }
0x16: {  	s3 =	sld [smem:$0x3FDB];
	s0 =	simm.s32 @p2 $0x1  }
0x17: {  	s4 =	simm.s32 $0x1BF5;
	[smem:$0x3FAE] =	sst s0  }
0x18: {  	s0 =	sld [smem:$0x3F91];
	_ =	swait.ge [sflag:s4], $0x0  }
0x19: {  	s7 =	sld [smem:$0x3F92]  }
0x1a: {  	s8 =	sadd.s32 $0xFFFFE003, lr  }
0x1b: {  	s9 =	sadd.s32 $0xFFFFFEF7, lr;
	s5 =	simm.s32 $0xFFFFFFFF;
	p2 =	slt.u32 s8, $0xFFFFF086  }
0x1c: {  	p1 =	slt.u32 s9, $0xF7A;
	s5 =	simm.s32 @!p2 $0x0  }
0x1d: {  	s5 =	simm.s32 @p1 $0x1;
	p0 =	seq.s32 s7, s2  }
0x1e: {  	s7 =	smul.u32 @!p0 $0xF7A, s2;
	p2 =	seq.s32 @!p0 s5, $0x0  }
0x1f: {  	s9 =	smul.u32 $0xF7A, s1;
	s8 =	simm.s32 @!p0 $0x1BF5;
	p2 =	por !p2, p0  }
0x20: {  	[sflag:s8] =	ssyncset.s32 @!p0 $0xFFFFF086;
	s6 =	sadd.s32 @!p0 s3, s7;
	s7 =	simm.s32 @!p0 $0x108  }
0x21: {  	s3 =	sadd.s32 s3, s9;
	s6 =	sadd.s32 @!p0 $0x88, s6;
	s7 =	simm.s32 @p2 $0x1082  }
0x22: {  	[simem:s7], [sflag:s8] =	dma.local @!p0 [hbm:s6], $0xF7A  }
0x23: {  	s9 =	sor.u32 $0xD0000000, s2;
	s6 =	simm.s32 $0x108;
	_ =	swait.ge @!p0 [sflag:s8], $0x0  }
0x24: {  	s3 =	sadd.s32 $0x88, s3;
	s6 =	simm.s32 @!p1 $0x1082;
	[sflag:s4] =	ssyncset.s32 $0xFFFFF086  }
0x25: {  	[simem:s6], [sflag:s4] =	dma.local [hbm:s3], $0xF7A  }
0x26: {  	[smem:$0x3F92] =	sst s1;
	(tag) =	ssettag s2;
	_ =	strace s9  }
0x27: {  	s1 =	sld [smem:$0x3FA2]  }
0x28: {  	s2 =	sld [smem:$0x3FA3]  }
0x29: {  	s4 =	sld [smem:$0x3FA5]  }
0x2a: {  	p0 =	seq.s32 s5, $0x0;
	s5 =	sld [smem:$0x3FA6]  }
0x2b: {  	s6 =	sld [smem:$0x3FA7]  }
0x2c: {  	s7 =	sld [smem:$0x3FA8]  }
0x2d: {  	s3 =	simm.s32 $0x108;
	s8 =	sld [smem:$0x3FA9]  }
0x2e: {  	s3 =	simm.s32 @!p0 $0x1082;
	s9 =	sld [smem:$0x3FAA]  }
0x2f: {  	lr =	sadd.s32 s0, s3;
	s0 =	sld [smem:$0x3FA1]  }
0x30: {  	s3 =	sld [smem:$0x3FA4]  }
0x31: {  	[smem:$0x3FAD] =	sst s10  }
0x32: {  	s10 =	sld [smem:$0x3FAB];
	_ =	sdelay $0x3  }
0x33: {  	p0 =	seq.s32 s10, $0x1;
	s10 =	sld [smem:$0x3FAD];
	_ =	sdelay $0x3  }
0x34: {  	[smem:$0x3FAD] =	sst s10  }
0x35: {  	s10 =	sld [smem:$0x3FAC];
	_ =	sdelay $0x3  }
0x36: {  	p1 =	seq.s32 s10, $0x1;
	s10 =	sld [smem:$0x3FAD];
	_ =	sdelay $0x3  }
0x37: {  	[smem:$0x3FAD] =	sst s10  }
0x38: {  	s10 =	sld [smem:$0x3FAE]  }
0x39: {  	_ = 	snop;
	(pc) =	sbr.ind lr, $3  }
0x3a: {  	_ = 	snop  }
0x3b: {  	_ = 	snop  }
0x3c: {  	p2 =	seq.s32 s10, $0x1;
	s10 =	sld [smem:$0x3FAD]  }
0x3d: {  	_ =	shalt  }
0x3e: {  	_ =	shalt  }
0x3f: {  	_ =	shalt  }
0x40: {  	_ =	shalt  }
0x41: {  	_ =	shalt  }
0x42: {  	_ =	shalt  }
0x43: {  	_ =	shalt  }
0x44: {  	_ =	shalt  }
0x45: {  	_ =	shalt  }
0x46: {  	_ =	shalt  }
0x47: {  	_ =	shalt  }
0x48: {  	_ =	shalt  }
0x49: {  	_ =	shalt  }
0x4a: {  	_ =	shalt  }
0x4b: {  	_ =	shalt  }
0x4c: {  	_ =	shalt  }
0x4d: {  	_ =	shalt  }
0x4e: {  	_ =	shalt  }
0x4f: {  	_ =	shalt  }
0x50: {  	_ =	shalt  }
0x51: {  	_ =	shalt  }
0x52: {  	_ =	shalt  }
0x53: {  	_ =	shalt  }
0x54: {  	_ =	shalt  }
0x55: {  	_ =	shalt  }
0x56: {  	_ =	shalt  }
0x57: {  	_ =	shalt  }
0x58: {  	_ =	shalt  }
0x59: {  	_ =	shalt  }
0x5a: {  	_ =	shalt  }
0x5b: {  	_ =	shalt  }
0x5c: {  	_ =	shalt  }
0x5d: {  	_ =	shalt  }
0x5e: {  	_ =	shalt  }
0x5f: {  	_ =	shalt  }
0x60: {  	_ =	shalt  }
0x61: {  	_ =	shalt  }
0x62: {  	_ =	shalt  }
0x63: {  	_ =	shalt  }
0x64: {  	_ =	shalt  }
0x65: {  	_ =	shalt  }
0x66: {  	_ =	shalt  }
0x67: {  	_ =	shalt  }
0x68: {  	_ =	shalt  }
0x69: {  	_ =	shalt  }
0x6a: {  	_ =	shalt  }
0x6b: {  	_ =	shalt  }
0x6c: {  	_ =	shalt  }
0x6d: {  	_ =	shalt  }
0x6e: {  	_ =	shalt  }
0x6f: {  	_ =	shalt  }
0x70: {  	_ =	shalt  }
0x71: {  	_ =	shalt  }
0x72: {  	_ =	shalt  }
0x73: {  	_ =	shalt  }
0x74: {  	_ =	shalt  }
0x75: {  	_ =	shalt  }
0x76: {  	_ =	shalt  }
0x77: {  	_ =	shalt  }
0x78: {  	_ =	shalt  }
0x79: {  	_ =	shalt  }
0x7a: {  	_ =	shalt  }
0x7b: {  	_ =	shalt  }
0x7c: {  	_ =	shalt  }
0x7d: {  	_ =	shalt  }
0x7e: {  	_ =	shalt  }
0x7f: {  	_ =	shalt  }
0x80: {  	_ =	shalt  }
0x81: {  	_ =	shalt  }
0x82: {  	_ =	shalt  }
0x83: {  	_ =	shalt  }
0x84: {  	_ =	shalt  }
0x85: {  	_ =	shalt  }
0x86: {  	_ =	shalt  }
0x87: {  	_ =	shalt  }
.Lfunc_end0:
.L_simem_size_0:
called_computation_lowered:
.L_overlay_start_0:
0x88: {  	s2 =	sld [smem:$0x3FD9]  }
0x89: {  	s3 =	sld [smem:$0x3FFE];
	_ =	sdelay $0x1  }
0x8a: {  	s1 =	srdreg.scid  }
0x8b: {  	s0 =	sand.u32 $0x1, s1  }
0x8c: {  	s17 =	sshll.u32 s0, $0xA;
	s2 =	sadd.s32 s3, s2  }
0x8d: {  	s2 =	sadd.s32 s2, s17  }
0x8e: {  	[smem:$0x3FB9] =	sst s2  }
0x8f: {  	_ = 	snop  }
0x90: {  	s2 =	sld [smem:$0x3FD0];
	(tm) =	ssettm $0x1  }
0x91: {  	s18 =	sld [smem:$0x3FFB];
	_ =	sdelay $0x3  }
0x92: {  	_ =	strace s18  }
0x93: {  	s3 =	sld [smem:$0x3FFC];
	_ =	sdelay $0x3  }
0x94: {  	_ =	strace s3  }
0x95: {  	s3 =	sld [smem:$0x3FFD];
	_ =	sdelay $0x3  }
0x96: {  	_ =	strace s3  }
0x97: {  	_ =	strace $0x8FFFFFFF  }
0x98: {  	s19 =	sld [smem:$0x3FDB];
	_ =	sdelay $0x1  }
0x99: {  	s4 =	simm.s32 $_scs_section_size  }
0x9a: {  	s5 =	simm.s32 $_size__tile_overlayer_lowered;
	s6 =	simm.s32 $_tile_overlayer_lowered  }
0x9b: {  	s22 =	simm.s32 $0x1BFF;
	s21 =	sshll.u32 s6, $0x1;
	s3 =	sadd.s32 s4, s19  }
0x9c: {  	s7 =	simm.s32 $0x0;
	s20 =	sshll.u32 s5, $0x1;
	s5 =	sadd.s32 s21, s3  }
0x9d: {  	[timem:s7], [sflag:s22] =	dma.local [hbm:s5], s20  }
0x9e: {  	_ =	swait.ge [sflag:s22], s20  }
0x9f: {  	s4 =	ssub.s32 $0x0, s20;
	[sflag:s22] =	ssyncset.done $0x0  }
0xa0: {  	[sflag:s22] =	ssyncadd.s32 s4;
	_ =	sdelay $0x1  }
0xa1: {  	s23 =	simm.s32 $0x1B8B  }
0xa2: {  	_ =	swait.ge [sflag:s23], $0x1  }
0xa3: {  	[sflag:s23] =	ssyncset.done $0x0  }
0xa4: {  	s25 =	simm.s32 $0x1B8E;
	s24 =	sld [smem:$0x3FFE];
	[sflag:s23] =	ssyncadd.s32 $0xFFFFFFFF  }
0xa5: {  	s26 =	simm.s32 $execute0_lowered;
	[smem:$0x3FD2] =	sst s25  }
0xa6: {  	s5 =	sshll.u32 s26, $0x1;
	_ =	strace $0x80000046;
	[dreg:$0x1] =	wrdreg $0xFFFFFFFF  }
0xa7: {  	s28 =	simm.s32 $_size_execute0_lowered;
	s3 =	sadd.s32 s3, s5;
	[dreg:$0x0] =	wrdreg $0x0  }
0xa8: {  	s5 =	sshll.u32 s28, $0x1;
	[dreg:$0x2] =	wrdreg s3  }
0xa9: {  	[dreg:$0x3] =	wrdreg s5  }
0xaa: {  	[dreg:$0x4] =	wrdreg $0xC0  }
0xab: {  	_ =	task [dreg:s7], $0x5FFFF  }
0xac: {  	[dreg:$0x1] =	wrdreg $0xFFFFFFFF  }
0xad: {  	[dreg:$0x0] =	wrdreg $0x60  }
0xae: {  	[dreg:$0x2] =	wrdreg s24  }
0xaf: {  	[dreg:$0x3] =	wrdreg s2  }
0xb0: {  	[dreg:$0x4] =	wrdreg $0x9  }
0xb1: {  	_ =	task.clear_ibuf [dreg:s7], $0x5FFFF;
	_ =	strace $0x90000046  }
0xb2: {  	s29 =	simm.s32 $0x9;
	_ =	strace $0x80000048  }
0xb3: {  	_ =	swait.ge [sflag:s29], $0x1  }
0xb4: {  	[sflag:s29] =	ssyncadd.s32 $0xFFFFFFFF  }
0xb5: {  	_ =	strace $0x90000048  }
0xb6: {  	_ =	sfence  }
0xb7: {  	s30 =	sld [smem:$0x0];
	_ =	sdelay $0x2  }
0xb8: {  	s31 =	sshll.u32 s1, $0xD;
	s1 =	sshrl.u32 s1, $0x2  }
0xb9: {  	s3 =	sand.u32 $0x4000, s31;
	s1 =	sadd.s32 s1, s30  }
0xba: {  	s0 =	sor.u32 s3, s0;
	s1 =	sshll.u32 s1, $0x11  }
0xbb: {  	s0 =	sor.u32 s1, s0  }
0xbc: {  	s0 =	sadd.s32 $0x8F2B, s0  }
0xbd: {  	[sflag:s0] =	ssyncadd.remote.s32 $0x1  }
0xbe: {  	_ =	sfence.sel $0xFFFF  }
0xbf: {  	[dreg:$0x0] =	wrdreg $0xFFFFFFFF;
	(pc) =	sbr.abs _section_cstart, $3  }
0xc0: {  	[dreg:$0x1] =	wrdreg $0xFFFFFFFF  }
0xc1: {  	_ =	task.clear_ibuf [dreg:s7], $0x2FFFF;
	_ =	strace $0x9FFFFFFF  }
0xc2: {  	(tm) =	ssettm $0x7FFFFFFF  }
0xc3: {  	_ =	shalt  }
tec
execute0_lowered:
.L_overlay_start_1:
0x0: {  	(tag) =	ssettag $0x1  }
0x1: {  	s5 =	rddreg [dreg:$0x0]  }
0x2: {  	s1 =	rddreg [dreg:$0x1]  }
0x3: {  	s0 =	rddreg [dreg:$0x2];
	s2 =	simm.s32 $0x0;
	s3 =	srdreg.scid  }
0x4: {  	s10 =	simm.s32 $0x2;
	s11 =	simm.s32 $0x3;
	s12 =	simm.s32 $0x0  }
0x5: {  	[smem:$0x7FF] =	sst s2;
	s6 =	sand.u32 $0x1, s3;
	s4 =	sadd.s32 $0x2400, s5  }
0x6: {  	v0 =	vlaneseq.u32;
	s3 =	stileid.u32;
	s5 =	sadd.s32 $0x12400, s5;
	s7 =	ssub.s32 $0x2, s6  }
0x7: {  	v0 =	vmul.u32 $0x41, v0;
	s9 =	sshll.u32 s3, $0x6;
	s6 =	sshll.u32 s6, $0x5;
	s8 =	sshrl.u32 s7, $0x1  }
0x8: {  	v1 =	vimm.f32 $1.000000000e+00;
	_ =	strace $0x80000047;
	s6 =	sor.u32 s6, s9;
	s7 =	ssub.s32 s7, s8  }
0x9: {  	s9 =	simm.s32 $0x1;
	v2 =	vadd.s32 $0x410, v0;
	v3 =	vadd.s32 $0x820, v0;
	v4 =	vadd.s32 $0xC30, v0;
	s8 =	simm.s32 $0x2000;
	s7 =	smax.u32 s7, $0x1  }
.LBB2_1:
0xa: {  	p1 =	por $0x1, $0x1;
	s13 =	simm.s32 $0x0  }
.LBB2_2:
0xb: {  	s13 =	sor.u32 s6, s13  }
0xc: {  	s14 =	sshll.u32 s13, $0x6  }
0xd: {  	s15 =	sadd.s32 s4, s14;
	s14 =	simm.s32 $0x0  }
0xe: {  	[tilespmem:s14], [sflag:$0x1] =	stream.linear.gather [hbm4b:s15+s14], $0x2000, $0x38;
	[tilespmem:$0x12000] =	vst v63  }
0xf: {  	_ = 	snop  }
0x10: {  	[tilespmem:s8], [sflag:$0x2] =	stream.linear.gather [hbm4b:s1+s14], $0x10000, $0x38;
	[tilespmem:$0x12000] =	vst v63  }
0x11: {  	_ =	swait.ge [sflag:s9], $0x2000  }
0x12: {  	[sflag:s9] =	ssyncset.done $0x0  }
0x13: {  	[sflag:s9] =	ssyncadd.s32 $0xFFFFE000  }
0x14: {  	_ =	swait.ge [sflag:s10], $0x10000  }
0x15: {  	[sflag:s10] =	ssyncset.done $0x0  }
0x16: {  	p0 =	por p1, p1;
	s15 =	simm.s32 $0x100;
	[sflag:s10] =	ssyncadd.s32 $0xFFFF0000  }
.LBB2_3:
0x17: {  	v5 =	vld [tilespmem:s15+$0xFFFFFF00]  }
0x18: {  	v6 =	vld [tilespmem:s15+$0x0];
	_ =	sdelay $0x4  }
0x19: {  	v6 =	vshll.u32 v6, $0x6;
	v5 =	vadd.s32 s14, v5  }
0x1a: {  	v5 =	vadd.s32 v6, v5;
	_ =	sdelay $0x4  }
0x1b: {  	[tilespmem:v5+s8+$0x0] =	vst.idx.add.f32.msk $0xffff, v1  }
0x1c: {  	v5 =	vld [tilespmem:s15+$0xFFFFFF10]  }
0x1d: {  	v6 =	vld [tilespmem:s15+$0x10];
	_ =	sdelay $0x4  }
0x1e: {  	v6 =	vshll.u32 v6, $0x6;
	v5 =	vadd.s32 s14, v5  }
0x1f: {  	v5 =	vadd.s32 v6, v5;
	_ =	sdelay $0x4  }
0x20: {  	[tilespmem:v5+s8+$0x0] =	vst.idx.add.f32.msk $0xffff, v1  }
0x21: {  	v5 =	vld [tilespmem:s15+$0xFFFFFF20]  }
0x22: {  	v6 =	vld [tilespmem:s15+$0x20];
	_ =	sdelay $0x4  }
0x23: {  	v6 =	vshll.u32 v6, $0x6;
	v5 =	vadd.s32 s14, v5  }
0x24: {  	v5 =	vadd.s32 v6, v5;
	_ =	sdelay $0x4  }
0x25: {  	[tilespmem:v5+s8+$0x0] =	vst.idx.add.f32.msk $0xffff, v1  }
0x26: {  	v5 =	vld [tilespmem:s15+$0xFFFFFF30]  }
0x27: {  	v6 =	vld [tilespmem:s15+$0x30];
	_ =	sdelay $0x4  }
0x28: {  	v6 =	vshll.u32 v6, $0x6;
	v5 =	vadd.s32 s14, v5  }
0x29: {  	v5 =	vadd.s32 v6, v5;
	_ =	sdelay $0x4  }
0x2a: {  	[tilespmem:v5+s8+$0x0] =	vst.idx.add.f32.msk $0xffff, v1  }
0x2b: {  	v5 =	vld [tilespmem:s15+$0xFFFFFF40]  }
0x2c: {  	v6 =	vld [tilespmem:s15+$0x40];
	_ =	sdelay $0x4  }
0x2d: {  	v6 =	vshll.u32 v6, $0x6;
	v5 =	vadd.s32 s14, v5  }
0x2e: {  	v5 =	vadd.s32 v6, v5;
	_ =	sdelay $0x4  }
0x2f: {  	[tilespmem:v5+s8+$0x0] =	vst.idx.add.f32.msk $0xffff, v1  }
0x30: {  	v5 =	vld [tilespmem:s15+$0xFFFFFF50]  }
0x31: {  	v6 =	vld [tilespmem:s15+$0x50];
	_ =	sdelay $0x4  }
0x32: {  	v6 =	vshll.u32 v6, $0x6;
	v5 =	vadd.s32 s14, v5  }
0x33: {  	v5 =	vadd.s32 v6, v5;
	_ =	sdelay $0x4  }
0x34: {  	[tilespmem:v5+s8+$0x0] =	vst.idx.add.f32.msk $0xffff, v1  }
0x35: {  	v5 =	vld [tilespmem:s15+$0xFFFFFF60]  }
0x36: {  	v6 =	vld [tilespmem:s15+$0x60];
	_ =	sdelay $0x4  }
0x37: {  	v6 =	vshll.u32 v6, $0x6;
	v5 =	vadd.s32 s14, v5  }
0x38: {  	v5 =	vadd.s32 v6, v5;
	_ =	sdelay $0x4  }
0x39: {  	[tilespmem:v5+s8+$0x0] =	vst.idx.add.f32.msk $0xffff, v1  }
0x3a: {  	v5 =	vld [tilespmem:s15+$0xFFFFFF70]  }
0x3b: {  	v6 =	vld [tilespmem:s15+$0x70];
	_ =	sdelay $0x4  }
0x3c: {  	v6 =	vshll.u32 v6, $0x6;
	v5 =	vadd.s32 s14, v5  }
0x3d: {  	v5 =	vadd.s32 v6, v5;
	_ =	sdelay $0x4  }
0x3e: {  	[tilespmem:v5+s8+$0x0] =	vst.idx.add.f32.msk $0xffff, v1  }
0x3f: {  	v5 =	vld [tilespmem:s15+$0xFFFFFF80]  }
0x40: {  	v6 =	vld [tilespmem:s15+$0x80];
	_ =	sdelay $0x4  }
0x41: {  	v6 =	vshll.u32 v6, $0x6;
	v5 =	vadd.s32 s14, v5  }
0x42: {  	v5 =	vadd.s32 v6, v5;
	_ =	sdelay $0x4  }
0x43: {  	[tilespmem:v5+s8+$0x0] =	vst.idx.add.f32.msk $0xffff, v1  }
0x44: {  	v5 =	vld [tilespmem:s15+$0xFFFFFF90]  }
0x45: {  	v6 =	vld [tilespmem:s15+$0x90];
	_ =	sdelay $0x4  }
0x46: {  	v6 =	vshll.u32 v6, $0x6;
	v5 =	vadd.s32 s14, v5  }
0x47: {  	v5 =	vadd.s32 v6, v5;
	_ =	sdelay $0x4  }
0x48: {  	[tilespmem:v5+s8+$0x0] =	vst.idx.add.f32.msk $0xffff, v1  }
0x49: {  	v5 =	vld [tilespmem:s15+$0xFFFFFFA0]  }
0x4a: {  	v6 =	vld [tilespmem:s15+$0xA0];
	_ =	sdelay $0x4  }
0x4b: {  	v6 =	vshll.u32 v6, $0x6;
	v5 =	vadd.s32 s14, v5  }
0x4c: {  	v5 =	vadd.s32 v6, v5;
	_ =	sdelay $0x4  }
0x4d: {  	[tilespmem:v5+s8+$0x0] =	vst.idx.add.f32.msk $0xffff, v1  }
0x4e: {  	v5 =	vld [tilespmem:s15+$0xFFFFFFB0]  }
0x4f: {  	v6 =	vld [tilespmem:s15+$0xB0];
	_ =	sdelay $0x4  }
0x50: {  	v6 =	vshll.u32 v6, $0x6;
	v5 =	vadd.s32 s14, v5  }
0x51: {  	v5 =	vadd.s32 v6, v5;
	_ =	sdelay $0x4  }
0x52: {  	[tilespmem:v5+s8+$0x0] =	vst.idx.add.f32.msk $0xffff, v1  }
0x53: {  	v5 =	vld [tilespmem:s15+$0xFFFFFFC0]  }
0x54: {  	v6 =	vld [tilespmem:s15+$0xC0];
	_ =	sdelay $0x4  }
0x55: {  	v6 =	vshll.u32 v6, $0x6;
	v5 =	vadd.s32 s14, v5  }
0x56: {  	v5 =	vadd.s32 v6, v5;
	_ =	sdelay $0x4  }
0x57: {  	[tilespmem:v5+s8+$0x0] =	vst.idx.add.f32.msk $0xffff, v1  }
0x58: {  	v5 =	vld [tilespmem:s15+$0xFFFFFFD0]  }
0x59: {  	v6 =	vld [tilespmem:s15+$0xD0];
	_ =	sdelay $0x4  }
0x5a: {  	v6 =	vshll.u32 v6, $0x6;
	v5 =	vadd.s32 s14, v5  }
0x5b: {  	v5 =	vadd.s32 v6, v5;
	_ =	sdelay $0x4  }
0x5c: {  	[tilespmem:v5+s8+$0x0] =	vst.idx.add.f32.msk $0xffff, v1  }
0x5d: {  	v5 =	vld [tilespmem:s15+$0xFFFFFFE0]  }
0x5e: {  	v6 =	vld [tilespmem:s15+$0xE0];
	_ =	sdelay $0x4  }
0x5f: {  	v6 =	vshll.u32 v6, $0x6;
	v5 =	vadd.s32 s14, v5  }
0x60: {  	v5 =	vadd.s32 v6, v5;
	_ =	sdelay $0x4  }
0x61: {  	[tilespmem:v5+s8+$0x0] =	vst.idx.add.f32.msk $0xffff, v1  }
0x62: {  	v5 =	vld [tilespmem:s15+$0xFFFFFFF0]  }
0x63: {  	v6 =	vld [tilespmem:s15+$0xF0];
	_ =	sdelay $0x4  }
0x64: {  	v6 =	vshll.u32 v6, $0x6;
	v5 =	vadd.s32 s14, v5  }
0x65: {  	v5 =	vadd.s32 v6, v5  }
0x66: {  	v6 =	vor.u32 s14, v0  }
0x67: {  	v7 =	vor.u32 s14, v2  }
0x68: {  	v8 =	vor.u32 s14, v3  }
0x69: {  	v9 =	vor.u32 s14, v4;
	p1 =	sne.s32 s14, $0xF000  }
.Ltmp0:
0x6a: {  	[tilespmem:v5+s8+$0x0] =	vst.idx.add.f32.msk $0xffff, v1;
	(pc) =	sbr.rel @p1 .LBB2_3-.Ltmp0, $4  }
0x6b: {  	[tilespmem:v6+s8+$0x0] =	vst.idx.add.f32.msk $0xffff, v1  }
0x6c: {  	[tilespmem:v7+s8+$0x0] =	vst.idx.add.f32.msk $0xffff, v1  }
0x6d: {  	[tilespmem:v8+s8+$0x0] =	vst.idx.add.f32.msk $0xffff, v1  }
0x6e: {  	s15 =	sadd.s32 $0x200, s15;
	s14 =	sadd.s32 $0x1000, s14;
	[tilespmem:v9+s8+$0x0] =	vst.idx.add.f32.msk $0xffff, v1  }
0x6f: {  	s13 =	sshll.u32 s13, $0x9  }
.Ltmp1:
0x70: {  	s13 =	sadd.s32 s5, s13;
	(pc) =	sbr.rel @p0 .LBB2_2-.Ltmp1, $4  }
0x71: {  	[hbm4b:s13+s2] =	stream.linear.scatter [tilespmem:s8], [sflag:$0x3], $0x10000, $0x38;
	[tilespmem:$0x12000] =	vst v63  }
0x72: {  	_ =	swait.ge [sflag:s11], $0x10000  }
0x73: {  	[sflag:s11] =	ssyncset.done $0x0  }
0x74: {  	p1 =	por $0x0, $0x0;
	s13 =	simm.s32 $0x10;
	[sflag:s11] =	ssyncadd.s32 $0xFFFF0000  }
0x75: {  	s12 =	sadd.s32 $0x1, s12  }
0x76: {  	p0 =	sne.s32 s12, s7  }
.Ltmp2:
0x77: {  	_ = 	snop;
	(pc) =	sbr.rel @p0 .LBB2_1-.Ltmp2, $1  }
0x78: {  	_ =	sdelay $0x3  }
0x79: {  	_ =	sfence.sel $0x180000  }
0x7a: {  	[bflag:$0x0] =	sbarrier.arrive $0xFFFF  }
0x7b: {  	p0 =	sne.s32 s3, $0x0;
	_ =	strace $0x90000047  }
0x7c: {  	s0 =	sadd.s32 @!p0 $0x100000, s0;
	[bflag:$0x2] =	sbarrier.arrive $0xFFFF  }
0x7d: {  	[sflag:s0] =	ssyncadd.tile.s32 @!p0 $0x1;
	_ =	shalt  }
.Lfunc_end2:
_tile_overlayer_lowered:
.L_overlay_start_2:
0x7e: {  	(tag) =	ssettag $0x2  }
0x7f: {  	s0 =	rddreg [dreg:$0x0];
	s2 =	stileid.u32  }
0x80: {  	s1 =	rddreg [dreg:$0x1];
	p0 =	sne.s32 s2, $0x0  }
0x81: {  	s3 =	rddreg [dreg:$0x2];
	[bflag:$0x3] =	sbarrier.arrive $0xFFFF;
	s2 =	simm.s32 @!p0 $0x1C03  }
0x82: {  	[timem:s3], [sflag:s2] =	dma.local @!p0 [hbm:s0], s1  }
0x83: {  	s0 =	simm.s32 @!p0 $0x3  }
0x84: {  	_ =	swait.ge @!p0 [sflag:s0], s1  }
0x85: {  	s1 =	ssub.s32 @!p0 $0x0, s1;
	[sflag:s0] =	ssyncset.done @!p0 $0x0  }
0x86: {  	[sflag:s0] =	ssyncadd.s32 @!p0 s1  }
0x87: {  	[bflag:$0x3] =	sbarrier.arrive $0xFFFF  }
0x88: {  	_ =	shalt  }

// kernel: kernel.9.cloned.1.call-start
scs
__scs_entry_jumppad:
0x0: {  	(pc) =	sbr.rel $0x88, $3  }
0x1: {  	(tag) =	ssettag $0x0;
	lr =	simm.s32 $0x1  }
0x2: {  	[smem:$0x3F92] =	sst lr;
	_ =	strace $0xD0000000  }
0x3: {  	_ = 	snop  }
0x4: {  	_ = 	snop  }
0x5: {  	_ = 	snop  }
0x6: {  	_ = 	snop  }
0x7: {  	_ = 	snop  }
__scs_overlays_trampoline_lowered:
0x8: {  	[smem:$0x3FA1] =	sst s0  }
0x9: {  	[smem:$0x3FA2] =	sst s1  }
0xa: {  	[smem:$0x3FA3] =	sst s2  }
0xb: {  	[smem:$0x3FA4] =	sst s3  }
0xc: {  	[smem:$0x3FA5] =	sst s4  }
0xd: {  	[smem:$0x3FA6] =	sst s5  }
0xe: {  	[smem:$0x3FA7] =	sst s6  }
0xf: {  	[smem:$0x3FA8] =	sst s7  }
0x10: {  	[smem:$0x3FA9] =	sst s8  }
0x11: {  	[smem:$0x3FAA] =	sst s9;
	s0 =	simm.s32 @!p0 $0x0  }
0x12: {  	s1 =	sld [smem:$0x3F90];
	s0 =	simm.s32 @p0 $0x1  }
0x13: {  	[smem:$0x3FAB] =	sst s0;
	s0 =	simm.s32 @!p1 $0x0  }
0x14: {  	s2 =	sld [smem:$0x3F8F];
	s0 =	simm.s32 @p1 $0x1  }
0x15: {  	[smem:$0x3FAC] =	sst s0;
	s0 =	simm.s32 @!p2 $0x0  }
0x16: {  	s3 =	sld [smem:$0x3FDB];
	s0 =	simm.s32 @p2 $0x1  }
0x17: {  	s4 =	simm.s32 $0x1BF5;
	[smem:$0x3FAE] =	sst s0  }
0x18: {  	s0 =	sld [smem:$0x3F91];
	_ =	swait.ge [sflag:s4], $0x0  }
0x19: {  	s7 =	sld [smem:$0x3F92]  }
0x1a: {  	s8 =	sadd.s32 $0xFFFFE003, lr  }
0x1b: {  	s9 =	sadd.s32 $0xFFFFFEF7, lr;
	s5 =	simm.s32 $0xFFFFFFFF;
	p2 =	slt.u32 s8, $0xFFFFF086  }
0x1c: {  	p1 =	slt.u32 s9, $0xF7A;
	s5 =	simm.s32 @!p2 $0x0  }
0x1d: {  	s5 =	simm.s32 @p1 $0x1;
	p0 =	seq.s32 s7, s2  }
0x1e: {  	s7 =	smul.u32 @!p0 $0xF7A, s2;
	p2 =	seq.s32 @!p0 s5, $0x0  }
0x1f: {  	s9 =	smul.u32 $0xF7A, s1;
	s8 =	simm.s32 @!p0 $0x1BF5;
	p2 =	por !p2, p0  }
0x20: {  	[sflag:s8] =	ssyncset.s32 @!p0 $0xFFFFF086;
	s6 =	sadd.s32 @!p0 s3, s7;
	s7 =	simm.s32 @!p0 $0x108  }
0x21: {  	s3 =	sadd.s32 s3, s9;
	s6 =	sadd.s32 @!p0 $0x88, s6;
	s7 =	simm.s32 @p2 $0x1082  }
0x22: {  	[simem:s7], [sflag:s8] =	dma.local @!p0 [hbm:s6], $0xF7A  }
0x23: {  	s9 =	sor.u32 $0xD0000000, s2;
	s6 =	simm.s32 $0x108;
	_ =	swait.ge @!p0 [sflag:s8], $0x0  }
0x24: {  	s3 =	sadd.s32 $0x88, s3;
	s6 =	simm.s32 @!p1 $0x1082;
	[sflag:s4] =	ssyncset.s32 $0xFFFFF086  }
0x25: {  	[simem:s6], [sflag:s4] =	dma.local [hbm:s3], $0xF7A  }
0x26: {  	[smem:$0x3F92] =	sst s1;
	(tag) =	ssettag s2;
	_ =	strace s9  }
0x27: {  	s1 =	sld [smem:$0x3FA2]  }
0x28: {  	s2 =	sld [smem:$0x3FA3]  }
0x29: {  	s4 =	sld [smem:$0x3FA5]  }
0x2a: {  	p0 =	seq.s32 s5, $0x0;
	s5 =	sld [smem:$0x3FA6]  }
0x2b: {  	s6 =	sld [smem:$0x3FA7]  }
0x2c: {  	s7 =	sld [smem:$0x3FA8]  }
0x2d: {  	s3 =	simm.s32 $0x108;
	s8 =	sld [smem:$0x3FA9]  }
0x2e: {  	s3 =	simm.s32 @!p0 $0x1082;
	s9 =	sld [smem:$0x3FAA]  }
0x2f: {  	lr =	sadd.s32 s0, s3;
	s0 =	sld [smem:$0x3FA1]  }
0x30: {  	s3 =	sld [smem:$0x3FA4]  }
0x31: {  	[smem:$0x3FAD] =	sst s10  }
0x32: {  	s10 =	sld [smem:$0x3FAB];
	_ =	sdelay $0x3  }
0x33: {  	p0 =	seq.s32 s10, $0x1;
	s10 =	sld [smem:$0x3FAD];
	_ =	sdelay $0x3  }
0x34: {  	[smem:$0x3FAD] =	sst s10  }
0x35: {  	s10 =	sld [smem:$0x3FAC];
	_ =	sdelay $0x3  }
0x36: {  	p1 =	seq.s32 s10, $0x1;
	s10 =	sld [smem:$0x3FAD];
	_ =	sdelay $0x3  }
0x37: {  	[smem:$0x3FAD] =	sst s10  }
0x38: {  	s10 =	sld [smem:$0x3FAE]  }
0x39: {  	_ = 	snop;
	(pc) =	sbr.ind lr, $3  }
0x3a: {  	_ = 	snop  }
0x3b: {  	_ = 	snop  }
0x3c: {  	p2 =	seq.s32 s10, $0x1;
	s10 =	sld [smem:$0x3FAD]  }
0x3d: {  	_ =	shalt  }
0x3e: {  	_ =	shalt  }
0x3f: {  	_ =	shalt  }
0x40: {  	_ =	shalt  }
0x41: {  	_ =	shalt  }
0x42: {  	_ =	shalt  }
0x43: {  	_ =	shalt  }
0x44: {  	_ =	shalt  }
0x45: {  	_ =	shalt  }
0x46: {  	_ =	shalt  }
0x47: {  	_ =	shalt  }
0x48: {  	_ =	shalt  }
0x49: {  	_ =	shalt  }
0x4a: {  	_ =	shalt  }
0x4b: {  	_ =	shalt  }
0x4c: {  	_ =	shalt  }
0x4d: {  	_ =	shalt  }
0x4e: {  	_ =	shalt  }
0x4f: {  	_ =	shalt  }
0x50: {  	_ =	shalt  }
0x51: {  	_ =	shalt  }
0x52: {  	_ =	shalt  }
0x53: {  	_ =	shalt  }
0x54: {  	_ =	shalt  }
0x55: {  	_ =	shalt  }
0x56: {  	_ =	shalt  }
0x57: {  	_ =	shalt  }
0x58: {  	_ =	shalt  }
0x59: {  	_ =	shalt  }
0x5a: {  	_ =	shalt  }
0x5b: {  	_ =	shalt  }
0x5c: {  	_ =	shalt  }
0x5d: {  	_ =	shalt  }
0x5e: {  	_ =	shalt  }
0x5f: {  	_ =	shalt  }
0x60: {  	_ =	shalt  }
0x61: {  	_ =	shalt  }
0x62: {  	_ =	shalt  }
0x63: {  	_ =	shalt  }
0x64: {  	_ =	shalt  }
0x65: {  	_ =	shalt  }
0x66: {  	_ =	shalt  }
0x67: {  	_ =	shalt  }
0x68: {  	_ =	shalt  }
0x69: {  	_ =	shalt  }
0x6a: {  	_ =	shalt  }
0x6b: {  	_ =	shalt  }
0x6c: {  	_ =	shalt  }
0x6d: {  	_ =	shalt  }
0x6e: {  	_ =	shalt  }
0x6f: {  	_ =	shalt  }
0x70: {  	_ =	shalt  }
0x71: {  	_ =	shalt  }
0x72: {  	_ =	shalt  }
0x73: {  	_ =	shalt  }
0x74: {  	_ =	shalt  }
0x75: {  	_ =	shalt  }
0x76: {  	_ =	shalt  }
0x77: {  	_ =	shalt  }
0x78: {  	_ =	shalt  }
0x79: {  	_ =	shalt  }
0x7a: {  	_ =	shalt  }
0x7b: {  	_ =	shalt  }
0x7c: {  	_ =	shalt  }
0x7d: {  	_ =	shalt  }
0x7e: {  	_ =	shalt  }
0x7f: {  	_ =	shalt  }
0x80: {  	_ =	shalt  }
0x81: {  	_ =	shalt  }
0x82: {  	_ =	shalt  }
0x83: {  	_ =	shalt  }
0x84: {  	_ =	shalt  }
0x85: {  	_ =	shalt  }
0x86: {  	_ =	shalt  }
0x87: {  	_ =	shalt  }
.Lfunc_end0:
.L_simem_size_0:
called_computation.1_lowered:
.L_overlay_start_0:
0x88: {  	s2 =	sld [smem:$0x3FD9]  }
0x89: {  	s3 =	sld [smem:$0x3FFE];
	_ =	sdelay $0x1  }
0x8a: {  	s1 =	srdreg.scid  }
0x8b: {  	s0 =	sand.u32 $0x1, s1  }
0x8c: {  	s17 =	sshll.u32 s0, $0xA;
	s2 =	sadd.s32 s3, s2  }
0x8d: {  	s2 =	sadd.s32 s2, s17  }
0x8e: {  	[smem:$0x3FB9] =	sst s2  }
0x8f: {  	_ = 	snop  }
0x90: {  	s18 =	sld [smem:$0x3FD0];
	(tm) =	ssettm $0x1  }
0x91: {  	s19 =	sld [smem:$0x3FFB];
	_ =	sdelay $0x3  }
0x92: {  	_ =	strace s19  }
0x93: {  	s2 =	sld [smem:$0x3FFC];
	_ =	sdelay $0x3  }
0x94: {  	_ =	strace s2  }
0x95: {  	s2 =	sld [smem:$0x3FFD];
	_ =	sdelay $0x3  }
0x96: {  	_ =	strace s2  }
0x97: {  	_ =	strace $0x8FFFFFFF  }
0x98: {  	s20 =	sld [smem:$0x3FDB];
	_ =	sdelay $0x1  }
0x99: {  	s4 =	simm.s32 $_scs_section_size  }
0x9a: {  	s5 =	simm.s32 $_size__tile_overlayer_lowered;
	s6 =	simm.s32 $_tile_overlayer_lowered  }
0x9b: {  	s7 =	simm.s32 $0x1BFF;
	s21 =	sshll.u32 s6, $0x1;
	s4 =	sadd.s32 s4, s20  }
0x9c: {  	s22 =	simm.s32 $0x0;
	s5 =	sshll.u32 s5, $0x1;
	s6 =	sadd.s32 s21, s4  }
0x9d: {  	[timem:s22], [sflag:s7] =	dma.local [hbm:s6], s5  }
0x9e: {  	_ =	swait.ge [sflag:s7], s5  }
0x9f: {  	s5 =	ssub.s32 $0x0, s5;
	[sflag:s7] =	ssyncset.done $0x0  }
0xa0: {  	[sflag:s7] =	ssyncadd.s32 s5;
	_ =	sdelay $0x1  }
0xa1: {  	s23 =	simm.s32 $0x1B8B  }
0xa2: {  	_ =	swait.ge [sflag:s23], $0x1  }
0xa3: {  	[sflag:s23] =	ssyncset.done $0x0  }
0xa4: {  	[sflag:s23] =	ssyncadd.s32 $0xFFFFFFFF  }
0xa5: {  	s5 =	sld [smem:$0x0]  }
0xa6: {  	s6 =	sand.u32 $0xFFFFFFFE, s1  }
0xa7: {  	p0 =	sne.s32 s1, s6  }
0xa8: {  	s6 =	sshll.u32 @p0 s6, $0xE  }
0xa9: {  	s6 =	sadd.s32 @p0 $0x11B8D, s6;
	s7 =	sshll.u32 @p0 s5, $0x11  }
0xaa: {  	s6 =	sor.u32 @p0 s7, s6  }
0xab: {  	[sflag:s6] =	ssyncadd.remote.s32 @p0 $0x1;
	_ =	sdelay $0x1  }
0xac: {  	s6 =	simm.s32 @p0 $0x1B8D  }
0xad: {  	_ =	swait.eq @p0 [sflag:s6], $0x1  }
0xae: {  	[sflag:s6] =	ssyncadd.s32 @p0 $0xFFFFFFFF  }
0xaf: {  	s7 =	sshll.u32 @!p0 s1, $0xE  }
0xb0: {  	s7 =	sor.u32 @!p0 $0x4000, s7;
	s6 =	simm.s32 @!p0 $0x1B8D  }
0xb1: {  	s5 =	sshll.u32 @!p0 s5, $0x11;
	s7 =	sadd.s32 @!p0 $0x11B8D, s7;
	_ =	swait.eq @!p0 [sflag:s6], $0x1  }
0xb2: {  	s5 =	sor.u32 @!p0 s5, s7;
	[sflag:s6] =	ssyncadd.s32 @!p0 $0xFFFFFFFF  }
0xb3: {  	s25 =	simm.s32 $0x1B8E;
	s24 =	sld [smem:$0x3FFE];
	[sflag:s5] =	ssyncadd.remote.s32 @!p0 $0x1  }
0xb4: {  	s26 =	simm.s32 $execute0_lowered;
	[smem:$0x3FD2] =	sst s25  }
0xb5: {  	s6 =	sshll.u32 s26, $0x1;
	_ =	strace $0x80000049;
	[dreg:$0x1] =	wrdreg $0xFFFFFFFF  }
0xb6: {  	s28 =	simm.s32 $_size_execute0_lowered;
	s4 =	sadd.s32 s4, s6;
	[dreg:$0x0] =	wrdreg $0x0  }
0xb7: {  	s6 =	sshll.u32 s28, $0x1;
	[dreg:$0x2] =	wrdreg s4  }
0xb8: {  	[dreg:$0x3] =	wrdreg s6  }
0xb9: {  	[dreg:$0x4] =	wrdreg $0xC0  }
0xba: {  	_ =	task [dreg:s22], $0x5FFFF  }
0xbb: {  	[dreg:$0x1] =	wrdreg $0xFFFFFFFF  }
0xbc: {  	[dreg:$0x0] =	wrdreg $0x60  }
0xbd: {  	[dreg:$0x2] =	wrdreg s24  }
0xbe: {  	[dreg:$0x3] =	wrdreg s18  }
0xbf: {  	[dreg:$0x4] =	wrdreg $0xA  }
0xc0: {  	_ =	task.clear_ibuf [dreg:s22], $0x5FFFF;
	_ =	strace $0x90000049  }
0xc1: {  	s29 =	simm.s32 $0xA;
	_ =	strace $0x8000004B  }
0xc2: {  	_ =	swait.ge [sflag:s29], $0x1  }
0xc3: {  	[sflag:s29] =	ssyncadd.s32 $0xFFFFFFFF  }
0xc4: {  	_ =	strace $0x9000004B  }
0xc5: {  	_ =	sfence  }
0xc6: {  	s30 =	sld [smem:$0x0];
	_ =	sdelay $0x2  }
0xc7: {  	s31 =	sshll.u32 s1, $0xD;
	s1 =	sshrl.u32 s1, $0x2  }
0xc8: {  	s4 =	sand.u32 $0x4000, s31;
	s1 =	sadd.s32 s1, s30  }
0xc9: {  	s0 =	sor.u32 s4, s0;
	s1 =	sshll.u32 s1, $0x11  }
0xca: {  	s0 =	sor.u32 s1, s0  }
0xcb: {  	s0 =	sadd.s32 $0x8F2B, s0  }
0xcc: {  	[sflag:s0] =	ssyncadd.remote.s32 $0x1  }
0xcd: {  	_ =	sfence.sel $0xFFFF  }
0xce: {  	[dreg:$0x0] =	wrdreg $0xFFFFFFFF;
	(pc) =	sbr.abs _section_cstart, $3  }
0xcf: {  	[dreg:$0x1] =	wrdreg $0xFFFFFFFF  }
0xd0: {  	_ =	task.clear_ibuf [dreg:s22], $0x2FFFF;
	_ =	strace $0x9FFFFFFF  }
0xd1: {  	(tm) =	ssettm $0x7FFFFFFF  }
tec
execute0_lowered:
.L_overlay_start_1:
0x0: {  	(tag) =	ssettag $0x1  }
0x1: {  	s4 =	rddreg [dreg:$0x0]  }
0x2: {  	s1 =	rddreg [dreg:$0x1]  }
0x3: {  	s0 =	rddreg [dreg:$0x2]  }
0x4: {  	s2 =	simm.s32 $0x0;
	s3 =	srdreg.scid;
	s9 =	simm.s32 $0x4000  }
0x5: {  	s10 =	simm.s32 $0x1;
	s11 =	simm.s32 $0x2;
	[smem:$0x7FF] =	sst s2  }
0x6: {  	s12 =	sand.u32 $0x1, s3;
	s3 =	stileid.u32;
	_ =	strace $0x8000004A  }
0x7: {  	v0 =	vlaneseq.u32;
	s5 =	sshll.u32 s12, $0xA;
	s6 =	sshll.u32 s3, $0xD;
	s7 =	ssub.s32 $0x2, s12  }
0x8: {  	v3 =	vmul.u32 $0x401, v0;
	s13 =	sshll.u32 s3, $0x6;
	s8 =	sshll.u32 s12, $0x11;
	p0 =	sne.s32 s12, $0x0  }
0x9: {  	s12 =	simm.s32 $0x3;
	s5 =	sadd.s32 s5, s4;
	s31 =	sshrl.u32 s7, $0x1  }
0xa: {  	s6 =	sadd.s32 s6, s4;
	v0 =	vmov s13;
	v1 =	vor.u32 s13, v3;
	v2 =	vadd.s32 $0x4010, v3;
	s7 =	ssub.s32 s7, s31;
	s4 =	sadd.s32 $0x92400, s5  }
0xb: {  	v4 =	vadd.s32 $0x8020, v3;
	v5 =	vadd.s32 $0xC030, v3;
	s5 =	sadd.s32 $0x92C00, s5;
	s6 =	sadd.s32 s8, s6;
	s8 =	simm.s32 $0x2000;
	v2 =	vor.u32 s13, v2  }
0xc: {  	v3 =	vor.u32 s13, v4;
	v4 =	vor.u32 s13, v5;
	v5 =	vimm.f32 $1.000000000e+00;
	s13 =	simm.s32 $0x0;
	s6 =	sadd.s32 $0x93400, s6;
	s7 =	smax.u32 s7, $0x1  }
.LBB2_1:
0xd: {  	[tilespmem:s2], [sflag:$0x1] =	stream.linear.gather [hbm4b:s4+s2], $0x2000, $0x38;
	[tilespmem:$0x14000] =	vst v63  }
0xe: {  	_ = 	snop  }
0xf: {  	[tilespmem:s8], [sflag:$0x1] =	stream.linear.gather [hbm4b:s5+s2], $0x2000, $0x38;
	[tilespmem:$0x14000] =	vst v63  }
0x10: {  	_ = 	snop  }
0x11: {  	[tilespmem:s9], [sflag:$0x2] =	stream.linear.gather [hbm4b:s1+s2], $0x10000, $0x38;
	[tilespmem:$0x14000] =	vst v63  }
0x12: {  	_ =	swait.ge [sflag:s10], $0x2000  }
0x13: {  	[sflag:s10] =	ssyncset.done $0x0  }
0x14: {  	[sflag:s10] =	ssyncadd.s32 $0xFFFFE000  }
0x15: {  	_ =	swait.ge [sflag:s10], $0x2000  }
0x16: {  	[sflag:s10] =	ssyncset.done $0x0  }
0x17: {  	[sflag:s10] =	ssyncadd.s32 $0xFFFFE000  }
0x18: {  	_ =	swait.ge [sflag:s11], $0x10000  }
0x19: {  	[sflag:s11] =	ssyncset.done $0x0  }
0x1a: {  	s14 =	simm.s32 $0x0;
	s15 =	simm.s32 $0x0;
	[sflag:s11] =	ssyncadd.s32 $0xFFFF0000  }
.LBB2_2:
0x1b: {  	s16 =	sand.u32 $0x1FC0, s15  }
0x1c: {  	v6 =	vld [tilespmem:s16+$0x2000];
	_ =	sdelay $0x1  }
0x1d: {  	v7 =	vld [tilespmem:s14+$0x0];
	_ =	sdelay $0x2  }
0x1e: {  	v6 =	vsub.s32 v6, v0  }
0x1f: {  	v8 =	vshll.u32 v6, $0xA  }
0x20: {  	vm0 =	vlt.u32 v6, $0x40;
	v6 =	vadd.s32 v7, v8  }
0x21: {  	v6 =	vnsel vm0, $0x0, v6;
	_ =	sdelay $0x4  }
0x22: {  	[tilespmem:v6+s9+$0x0] =	vst.idx.add.f32.msk vm0, v5  }
0x23: {  	v6 =	vld [tilespmem:s14+$0x2010];
	_ =	sdelay $0x1  }
0x24: {  	v7 =	vld [tilespmem:s14+$0x10];
	_ =	sdelay $0x2  }
0x25: {  	v6 =	vsub.s32 v6, v0  }
0x26: {  	v61 =	vshll.u32 v6, $0xA  }
0x27: {  	vm13 =	vlt.u32 v6, $0x40;
	v6 =	vadd.s32 v7, v61  }
0x28: {  	v6 =	vnsel vm13, $0x0, v6;
	_ =	sdelay $0x4  }
0x29: {  	[tilespmem:v6+s9+$0x0] =	vst.idx.add.f32.msk vm13, v5  }
0x2a: {  	v6 =	vld [tilespmem:s14+$0x2020];
	_ =	sdelay $0x1  }
0x2b: {  	v7 =	vld [tilespmem:s14+$0x20];
	_ =	sdelay $0x2  }
0x2c: {  	v6 =	vsub.s32 v6, v0  }
0x2d: {  	v62 =	vshll.u32 v6, $0xA  }
0x2e: {  	vm14 =	vlt.u32 v6, $0x40;
	v6 =	vadd.s32 v7, v62  }
0x2f: {  	v6 =	vnsel vm14, $0x0, v6;
	_ =	sdelay $0x4  }
0x30: {  	[tilespmem:v6+s9+$0x0] =	vst.idx.add.f32.msk vm14, v5  }
0x31: {  	v6 =	vld [tilespmem:s14+$0x2030];
	_ =	sdelay $0x1  }
0x32: {  	v7 =	vld [tilespmem:s14+$0x30];
	_ =	sdelay $0x2  }
0x33: {  	v6 =	vsub.s32 v6, v0  }
0x34: {  	v63 =	vshll.u32 v6, $0xA  }
0x35: {  	vm15 =	vlt.u32 v6, $0x40;
	v6 =	vadd.s32 v7, v63  }
0x36: {  	p1 =	sne.s32 s15, $0x1FC0;
	v6 =	vnsel vm15, $0x0, v6  }
.Ltmp0:
0x37: {  	_ = 	snop;
	(pc) =	sbr.rel @p1 .LBB2_2-.Ltmp0, $2  }
0x38: {  	_ =	sdelay $0x2  }
0x39: {  	s15 =	sadd.s32 $0x40, s15;
	s14 =	sadd.s32 $0x40, s14;
	[tilespmem:v6+s9+$0x0] =	vst.idx.add.f32.msk vm15, v5  }
0x3a: {  	_ =	sdelay $0x2  }
0x3b: {  	v6 =	vimm.f32 @!p0 $1.000000000e+00;
	s14 =	simm.s32 @!p0 $0x4000  }
0x3c: {  	[tilespmem:v1+s14+$0x0] =	vst.idx.add.f32.msk @!p0 $0xffff, v6  }
0x3d: {  	s13 =	sadd.s32 $0x1, s13;
	[tilespmem:v2+s14+$0x0] =	vst.idx.add.f32.msk @!p0 $0xffff, v6  }
0x3e: {  	p1 =	sne.s32 s13, s7;
	[tilespmem:v3+s14+$0x0] =	vst.idx.add.f32.msk @!p0 $0xffff, v6  }
.Ltmp1:
0x3f: {  	[tilespmem:v4+s14+$0x0] =	vst.idx.add.f32.msk @!p0 $0xffff, v6;
	(pc) =	sbr.rel @p1 .LBB2_1-.Ltmp1, $4  }
0x40: {  	[hbm4b:s6+s2] =	stream.linear.scatter [tilespmem:s9], [sflag:$0x3], $0x10000, $0x38;
	[tilespmem:$0x14000] =	vst v63  }
0x41: {  	_ =	swait.ge [sflag:s12], $0x10000  }
0x42: {  	[sflag:s12] =	ssyncset.done $0x0  }
0x43: {  	[sflag:s12] =	ssyncadd.s32 $0xFFFF0000  }
0x44: {  	_ =	sfence.sel $0x180000  }
0x45: {  	[bflag:$0x0] =	sbarrier.arrive $0xFFFF  }
0x46: {  	p0 =	sne.s32 s3, $0x0;
	_ =	strace $0x9000004A  }
0x47: {  	s0 =	sadd.s32 @!p0 $0x100000, s0;
	[bflag:$0x2] =	sbarrier.arrive $0xFFFF  }
0x48: {  	[sflag:s0] =	ssyncadd.tile.s32 @!p0 $0x1;
	_ =	shalt  }
.Lfunc_end2:
_tile_overlayer_lowered:
.L_overlay_start_2:
0x49: {  	(tag) =	ssettag $0x2  }
0x4a: {  	s0 =	rddreg [dreg:$0x0];
	s2 =	stileid.u32  }
0x4b: {  	s1 =	rddreg [dreg:$0x1];
	p0 =	sne.s32 s2, $0x0  }
0x4c: {  	s3 =	rddreg [dreg:$0x2];
	[bflag:$0x3] =	sbarrier.arrive $0xFFFF;
	s2 =	simm.s32 @!p0 $0x1C03  }
0x4d: {  	[timem:s3], [sflag:s2] =	dma.local @!p0 [hbm:s0], s1  }
0x4e: {  	s0 =	simm.s32 @!p0 $0x3  }
0x4f: {  	_ =	swait.ge @!p0 [sflag:s0], s1  }
0x50: {  	s1 =	ssub.s32 @!p0 $0x0, s1;
	[sflag:s0] =	ssyncset.done @!p0 $0x0  }
0x51: {  	[sflag:s0] =	ssyncadd.s32 @!p0 s1  }
0x52: {  	[bflag:$0x3] =	sbarrier.arrive $0xFFFF  }
0x53: {  	_ =	shalt  }

</sc_bundles>
